<compile_context>
chip_gen: v7x
topology: tpu7x:2x2x1
jax: 0.10.2.dev20260603
libtpu: 0.0.44.dev20260713+nightly
codegen_flags: <defaults>
</compile_context>

<pallas_src>
import functools

import jax
import jax.numpy as jnp
from jax import lax
from jax.experimental import pallas as pl
from jax.experimental.pallas import tpu as pltpu
from jax.experimental.pallas import tpu_sc as plsc

_LANES = 128
_OCT = 16


@functools.lru_cache(maxsize=None)
def _build(batch, hist, vocab, dim):
  info = plsc.get_sparse_core_info()
  nc, ns = info.num_cores, info.num_subcores
  nw = nc * ns
  assert batch % (nw * _OCT) == 0
  rows_per_w = batch // nw
  n_oct = rows_per_w // _OCT
  hist_p = (hist + 7) // 8 * 8

  mesh = plsc.VectorSubcoreMesh(core_axis_name="c", subcore_axis_name="s")

  @functools.partial(
      pl.kernel,
      out_type=jax.ShapeDtypeStruct((batch, hist_p, 2 * dim), jnp.float32),
      mesh=mesh,
      scratch_types=[
          pltpu.VMEM((rows_per_w, hist_p), jnp.int32),
          pltpu.VMEM((_OCT, hist_p, dim), jnp.float32),
      ]
      + [pltpu.SemaphoreType.DMA] * (2 * _OCT),
      compiler_params=pltpu.CompilerParams(use_tc_tiling_on_sc=False),
  )
  def k(idx_hbm, table_hbm, out_hbm, idx_v, rows_v, *sems):
    gsems, wsems = sems[:_OCT], sems[_OCT:]
    wid = lax.axis_index("s") * nc + lax.axis_index("c")
    base = wid * rows_per_w
    pltpu.sync_copy(
        idx_hbm.at[pl.ds(base, rows_per_w), pl.ds(0, hist_p)], idx_v
    )

    def body(q, carry):
      r0 = q * _OCT
      hs = []
      for i in range(_OCT):
        hs.append(
            pltpu.async_copy(
                table_hbm.at[idx_v.at[r0 + i]], rows_v.at[i], gsems[i]
            )
        )
      for i in range(_OCT):
        hs[i].wait()
        pltpu.sync_copy(
            rows_v.at[i],
            out_hbm.at[base + r0 + i, pl.ds(0, hist_p), pl.ds(0, dim)],
        )
      return carry

    lax.fori_loop(0, n_oct, body, 0)

  return k


def kernel(input, table):
  batch, hist = input.shape
  vocab, dim = table.shape
  pad_w = _LANES - hist
  spread = (
      jax.lax.broadcasted_iota(jnp.int32, (batch, pad_w), 0) * 131
      + jax.lax.broadcasted_iota(jnp.int32, (batch, pad_w), 1) * 7919
  ) % vocab
  idx_pad = jnp.concatenate([input.astype(jnp.int32), spread], axis=1)
  out_p = _build(batch, hist, vocab, dim)(idx_pad, table)
  return out_p[:, :hist, :dim]

# --- scband reference (transcript-rebuilt; emitter-appended) ---
"""Pipeline reference for scband-embedding-wrapper-35278861370008 (READ-ONLY COPY).

The authoritative reference and input builder live on the scoring server;
editing this copy changes nothing except your own understanding.
"""

import jax, jax.numpy as jnp
import numpy as np

VOCAB = 1000000
EMBED_DIM = 64
BATCH = 4096
HIST = 50

def setup_inputs(seed: int = 0) -> dict:
    key = jax.random.key(seed)
    k_idx, k_tab = jax.random.split(key)
    indices = jax.random.randint(k_idx, (BATCH, HIST), 0, VOCAB, dtype=jnp.int64 if jax.config.jax_enable_x64 else jnp.int32)
    # xavier_uniform init for the embedding table, matching nn.init.xavier_uniform_
    fan_in, fan_out = VOCAB, EMBED_DIM
    limit = float(np.sqrt(6.0 / (fan_in + fan_out)))
    table = jax.random.uniform(k_tab, (VOCAB, EMBED_DIM), dtype=jnp.float32, minval=-limit, maxval=limit)
    return {"input": indices, "table": table}

def reference(input, table):
    # nn.Embedding lookup
    embedded = jnp.take(table, input, axis=0)
    # dropout with p=0 (and eval semantics) is identity
    return embedded

if __name__ == "__main__":
    import jax
    _d = setup_inputs()
    print(jax.jit(kernel)(*tuple(_d.values())))

</pallas_src>

<mosaic_0001>
#map = affine_map<(d0, d1) -> (0, 0)>
#map1 = affine_map<(d0, d1) -> (0, 0, 0)>
module attributes {stable_mosaic.version = 14 : i64} {
  func.func @k(%arg0: i32, %arg1: i32, %arg2: memref<4096x128xi32, #tpu.memory_space<hbm>>, %arg3: memref<1000000x64xf32, #tpu.memory_space<hbm>>, %arg4: memref<4096x56x128xf32, #tpu.memory_space<hbm>>, %arg5: memref<128x56xi32, #tpu.memory_space<vmem>>, %arg6: memref<16x56x64xf32, #tpu.memory_space<vmem>>, %arg7: memref<!tpu.dma_semaphore, #tpu.memory_space<semaphore_mem>>, %arg8: memref<!tpu.dma_semaphore, #tpu.memory_space<semaphore_mem>>, %arg9: memref<!tpu.dma_semaphore, #tpu.memory_space<semaphore_mem>>, %arg10: memref<!tpu.dma_semaphore, #tpu.memory_space<semaphore_mem>>, %arg11: memref<!tpu.dma_semaphore, #tpu.memory_space<semaphore_mem>>, %arg12: memref<!tpu.dma_semaphore, #tpu.memory_space<semaphore_mem>>, %arg13: memref<!tpu.dma_semaphore, #tpu.memory_space<semaphore_mem>>, %arg14: memref<!tpu.dma_semaphore, #tpu.memory_space<semaphore_mem>>, %arg15: memref<!tpu.dma_semaphore, #tpu.memory_space<semaphore_mem>>, %arg16: memref<!tpu.dma_semaphore, #tpu.memory_space<semaphore_mem>>, %arg17: memref<!tpu.dma_semaphore, #tpu.memory_space<semaphore_mem>>, %arg18: memref<!tpu.dma_semaphore, #tpu.memory_space<semaphore_mem>>, %arg19: memref<!tpu.dma_semaphore, #tpu.memory_space<semaphore_mem>>, %arg20: memref<!tpu.dma_semaphore, #tpu.memory_space<semaphore_mem>>, %arg21: memref<!tpu.dma_semaphore, #tpu.memory_space<semaphore_mem>>, %arg22: memref<!tpu.dma_semaphore, #tpu.memory_space<semaphore_mem>>, %arg23: memref<!tpu.dma_semaphore, #tpu.memory_space<semaphore_mem>>, %arg24: memref<!tpu.dma_semaphore, #tpu.memory_space<semaphore_mem>>, %arg25: memref<!tpu.dma_semaphore, #tpu.memory_space<semaphore_mem>>, %arg26: memref<!tpu.dma_semaphore, #tpu.memory_space<semaphore_mem>>, %arg27: memref<!tpu.dma_semaphore, #tpu.memory_space<semaphore_mem>>, %arg28: memref<!tpu.dma_semaphore, #tpu.memory_space<semaphore_mem>>, %arg29: memref<!tpu.dma_semaphore, #tpu.memory_space<semaphore_mem>>, %arg30: memref<!tpu.dma_semaphore, #tpu.memory_space<semaphore_mem>>, %arg31: memref<!tpu.dma_semaphore, #tpu.memory_space<semaphore_mem>>, %arg32: memref<!tpu.dma_semaphore, #tpu.memory_space<semaphore_mem>>, %arg33: memref<!tpu.dma_semaphore, #tpu.memory_space<semaphore_mem>>, %arg34: memref<!tpu.dma_semaphore, #tpu.memory_space<semaphore_mem>>, %arg35: memref<!tpu.dma_semaphore, #tpu.memory_space<semaphore_mem>>, %arg36: memref<!tpu.dma_semaphore, #tpu.memory_space<semaphore_mem>>, %arg37: memref<!tpu.dma_semaphore, #tpu.memory_space<semaphore_mem>>, %arg38: memref<!tpu.dma_semaphore, #tpu.memory_space<semaphore_mem>>) attributes {dimension_semantics = [#tpu.dimension_semantics<core_parallel>, #tpu.dimension_semantics<subcore_parallel>], iteration_bounds = array<i64: 2, 16>, scalar_prefetch = 0 : i64, scratch_operands = 34 : i64, tpu.core_type = #tpu.core_type<sc_vector_subcore>, window_params = [{transform_indices = #map}, {transform_indices = #map}, {transform_indices = #map1}]} {
    %mul3A = arith.constant 2 : i32
    %mul3A_0 = arith.muli %arg1, %mul3A : i32
    %add3A = arith.addi %mul3A_0, %arg0 : i32
    %mul3A_1 = arith.constant 128 : i32
    %mul3A_2 = arith.muli %add3A, %mul3A_1 : i32
    "tpu.region"() ({
      %run_scoped3A = tpu.sem_alloc : memref<!tpu.dma_semaphore, #tpu.memory_space<semaphore_mem>>
      %dma_start3A = arith.constant 0 : i32
      %dma_start3A_8 = tpu.memref_slice %arg2[%mul3A_2, %dma_start3A] : memref<4096x128xi32, #tpu.memory_space<hbm>> -> memref<128x56xi32, #tpu.memory_space<hbm>>
      %dma_start3A_9 = arith.constant 0 : i32
      %dma_start3A_10 = tpu.memref_slice %arg2[%mul3A_2, %dma_start3A_9] : memref<4096x128xi32, #tpu.memory_space<hbm>> -> memref<128x56xi32, #tpu.memory_space<hbm>>
      tpu.enqueue_dma source(%dma_start3A_10 : memref<128x56xi32, #tpu.memory_space<hbm>>) target(%arg5 : memref<128x56xi32, #tpu.memory_space<vmem>>) target_semaphore(%run_scoped3A : memref<!tpu.dma_semaphore, #tpu.memory_space<semaphore_mem>>)
      %dma_wait3A = arith.constant 0 : i32
      %dma_wait3A_11 = tpu.memref_slice %arg2[%mul3A_2, %dma_wait3A] : memref<4096x128xi32, #tpu.memory_space<hbm>> -> memref<128x56xi32, #tpu.memory_space<hbm>>
      %dma_wait3A_12 = arith.constant 0 : i32
      %dma_wait3A_13 = tpu.memref_slice %arg2[%mul3A_2, %dma_wait3A_12] : memref<4096x128xi32, #tpu.memory_space<hbm>> -> memref<128x56xi32, #tpu.memory_space<hbm>>
      tpu.wait_dma2 semaphore(%run_scoped3A : memref<!tpu.dma_semaphore, #tpu.memory_space<semaphore_mem>>) src(%dma_wait3A_13 : memref<128x56xi32, #tpu.memory_space<hbm>>) dst(%arg5 : memref<128x56xi32, #tpu.memory_space<vmem>>)
      tpu.yield
    }) : () -> ()
    %scan3A = arith.constant 0 : i32
    %scan3A_3 = arith.constant 0 : i32
    %scan3A_4 = arith.constant 8 : i32
    %scan3A_5 = arith.addi %scan3A_3, %scan3A_4 : i32
    %scan3A_6 = arith.constant 1 : i32
    scf.for %scan3A_8 = %scan3A_3 to %scan3A_5 step %scan3A_6  : i32 {
      %mul3A_9 = arith.constant 16 : i32
      %mul3A_10 = arith.muli %scan3A_8, %mul3A_9 : i32
      %add3A_11 = arith.constant 0 : i32
      %add3A_12 = arith.addi %mul3A_10, %add3A_11 : i32
      %dma_start3A = arith.constant 0 : i32
      %dma_start3A_13 = arith.constant 0 : i32
      %dma_start3A_14 = arith.constant 0 : i32
      %dma_start3A_15 = tpu.memref_slice %arg6[%dma_start3A, %dma_start3A_13, %dma_start3A_14] : memref<16x56x64xf32, #tpu.memory_space<vmem>> -> memref<1x56x64xf32, #tpu.memory_space<vmem>>
      %dma_start3A_16 = tpu.memref_squeeze %dma_start3A_15 : memref<1x56x64xf32, #tpu.memory_space<vmem>> -> memref<56x64xf32, #tpu.memory_space<vmem>>
      %dma_start3A_17 = arith.constant 0 : i32
      %dma_start3A_18 = tpu.memref_slice %arg5[%add3A_12, %dma_start3A_17] : memref<128x56xi32, #tpu.memory_space<vmem>> -> memref<1x56xi32, #tpu.memory_space<vmem>>
      %dma_start3A_19 = tpu.memref_squeeze %dma_start3A_18 : memref<1x56xi32, #tpu.memory_space<vmem>> -> memref<56xi32, #tpu.memory_space<vmem>>
      %dma_start3A_20 = arith.constant 0 : i32
      %dma_start3A_21 = arith.constant 0 : i32
      %dma_start3A_22 = tpu.memref_slice %arg3[%dma_start3A_20, %dma_start3A_21] : memref<1000000x64xf32, #tpu.memory_space<hbm>> -> memref<1000000x64xf32, #tpu.memory_space<hbm>>
      tpu.enqueue_indirect_dma source(%dma_start3A_22 : memref<1000000x64xf32, #tpu.memory_space<hbm>>) target(%dma_start3A_16 : memref<56x64xf32, #tpu.memory_space<vmem>>) offsets(%dma_start3A_19 : memref<56xi32, #tpu.memory_space<vmem>>) semaphore(%arg7 : memref<!tpu.dma_semaphore, #tpu.memory_space<semaphore_mem>>)
      %add3A_23 = arith.constant 1 : i32
      %add3A_24 = arith.addi %mul3A_10, %add3A_23 : i32
      %dma_start3A_25 = arith.constant 1 : i32
      %dma_start3A_26 = arith.constant 0 : i32
      %dma_start3A_27 = arith.constant 0 : i32
      %dma_start3A_28 = tpu.memref_slice %arg6[%dma_start3A_25, %dma_start3A_26, %dma_start3A_27] : memref<16x56x64xf32, #tpu.memory_space<vmem>> -> memref<1x56x64xf32, #tpu.memory_space<vmem>>
      %dma_start3A_29 = tpu.memref_squeeze %dma_start3A_28 : memref<1x56x64xf32, #tpu.memory_space<vmem>> -> memref<56x64xf32, #tpu.memory_space<vmem>>
      %dma_start3A_30 = arith.constant 0 : i32
      %dma_start3A_31 = tpu.memref_slice %arg5[%add3A_24, %dma_start3A_30] : memref<128x56xi32, #tpu.memory_space<vmem>> -> memref<1x56xi32, #tpu.memory_space<vmem>>
      %dma_start3A_32 = tpu.memref_squeeze %dma_start3A_31 : memref<1x56xi32, #tpu.memory_space<vmem>> -> memref<56xi32, #tpu.memory_space<vmem>>
      %dma_start3A_33 = arith.constant 0 : i32
      %dma_start3A_34 = arith.constant 0 : i32
      %dma_start3A_35 = tpu.memref_slice %arg3[%dma_start3A_33, %dma_start3A_34] : memref<1000000x64xf32, #tpu.memory_space<hbm>> -> memref<1000000x64xf32, #tpu.memory_space<hbm>>
      tpu.enqueue_indirect_dma source(%dma_start3A_35 : memref<1000000x64xf32, #tpu.memory_space<hbm>>) target(%dma_start3A_29 : memref<56x64xf32, #tpu.memory_space<vmem>>) offsets(%dma_start3A_32 : memref<56xi32, #tpu.memory_space<vmem>>) semaphore(%arg8 : memref<!tpu.dma_semaphore, #tpu.memory_space<semaphore_mem>>)
      %add3A_36 = arith.constant 2 : i32
      %add3A_37 = arith.addi %mul3A_10, %add3A_36 : i32
      %dma_start3A_38 = arith.constant 2 : i32
      %dma_start3A_39 = arith.constant 0 : i32
      %dma_start3A_40 = arith.constant 0 : i32
      %dma_start3A_41 = tpu.memref_slice %arg6[%dma_start3A_38, %dma_start3A_39, %dma_start3A_40] : memref<16x56x64xf32, #tpu.memory_space<vmem>> -> memref<1x56x64xf32, #tpu.memory_space<vmem>>
      %dma_start3A_42 = tpu.memref_squeeze %dma_start3A_41 : memref<1x56x64xf32, #tpu.memory_space<vmem>> -> memref<56x64xf32, #tpu.memory_space<vmem>>
      %dma_start3A_43 = arith.constant 0 : i32
      %dma_start3A_44 = tpu.memref_slice %arg5[%add3A_37, %dma_start3A_43] : memref<128x56xi32, #tpu.memory_space<vmem>> -> memref<1x56xi32, #tpu.memory_space<vmem>>
      %dma_start3A_45 = tpu.memref_squeeze %dma_start3A_44 : memref<1x56xi32, #tpu.memory_space<vmem>> -> memref<56xi32, #tpu.memory_space<vmem>>
      %dma_start3A_46 = arith.constant 0 : i32
      %dma_start3A_47 = arith.constant 0 : i32
      %dma_start3A_48 = tpu.memref_slice %arg3[%dma_start3A_46, %dma_start3A_47] : memref<1000000x64xf32, #tpu.memory_space<hbm>> -> memref<1000000x64xf32, #tpu.memory_space<hbm>>
      tpu.enqueue_indirect_dma source(%dma_start3A_48 : memref<1000000x64xf32, #tpu.memory_space<hbm>>) target(%dma_start3A_42 : memref<56x64xf32, #tpu.memory_space<vmem>>) offsets(%dma_start3A_45 : memref<56xi32, #tpu.memory_space<vmem>>) semaphore(%arg9 : memref<!tpu.dma_semaphore, #tpu.memory_space<semaphore_mem>>)
      %add3A_49 = arith.constant 3 : i32
      %add3A_50 = arith.addi %mul3A_10, %add3A_49 : i32
      %dma_start3A_51 = arith.constant 3 : i32
      %dma_start3A_52 = arith.constant 0 : i32
      %dma_start3A_53 = arith.constant 0 : i32
      %dma_start3A_54 = tpu.memref_slice %arg6[%dma_start3A_51, %dma_start3A_52, %dma_start3A_53] : memref<16x56x64xf32, #tpu.memory_space<vmem>> -> memref<1x56x64xf32, #tpu.memory_space<vmem>>
      %dma_start3A_55 = tpu.memref_squeeze %dma_start3A_54 : memref<1x56x64xf32, #tpu.memory_space<vmem>> -> memref<56x64xf32, #tpu.memory_space<vmem>>
      %dma_start3A_56 = arith.constant 0 : i32
      %dma_start3A_57 = tpu.memref_slice %arg5[%add3A_50, %dma_start3A_56] : memref<128x56xi32, #tpu.memory_space<vmem>> -> memref<1x56xi32, #tpu.memory_space<vmem>>
      %dma_start3A_58 = tpu.memref_squeeze %dma_start3A_57 : memref<1x56xi32, #tpu.memory_space<vmem>> -> memref<56xi32, #tpu.memory_space<vmem>>
      %dma_start3A_59 = arith.constant 0 : i32
      %dma_start3A_60 = arith.constant 0 : i32
      %dma_start3A_61 = tpu.memref_slice %arg3[%dma_start3A_59, %dma_start3A_60] : memref<1000000x64xf32, #tpu.memory_space<hbm>> -> memref<1000000x64xf32, #tpu.memory_space<hbm>>
      tpu.enqueue_indirect_dma source(%dma_start3A_61 : memref<1000000x64xf32, #tpu.memory_space<hbm>>) target(%dma_start3A_55 : memref<56x64xf32, #tpu.memory_space<vmem>>) offsets(%dma_start3A_58 : memref<56xi32, #tpu.memory_space<vmem>>) semaphore(%arg10 : memref<!tpu.dma_semaphore, #tpu.memory_space<semaphore_mem>>)
      %add3A_62 = arith.constant 4 : i32
      %add3A_63 = arith.addi %mul3A_10, %add3A_62 : i32
      %dma_start3A_64 = arith.constant 4 : i32
      %dma_start3A_65 = arith.constant 0 : i32
      %dma_start3A_66 = arith.constant 0 : i32
      %dma_start3A_67 = tpu.memref_slice %arg6[%dma_start3A_64, %dma_start3A_65, %dma_start3A_66] : memref<16x56x64xf32, #tpu.memory_space<vmem>> -> memref<1x56x64xf32, #tpu.memory_space<vmem>>
      %dma_start3A_68 = tpu.memref_squeeze %dma_start3A_67 : memref<1x56x64xf32, #tpu.memory_space<vmem>> -> memref<56x64xf32, #tpu.memory_space<vmem>>
      %dma_start3A_69 = arith.constant 0 : i32
      %dma_start3A_70 = tpu.memref_slice %arg5[%add3A_63, %dma_start3A_69] : memref<128x56xi32, #tpu.memory_space<vmem>> -> memref<1x56xi32, #tpu.memory_space<vmem>>
      %dma_start3A_71 = tpu.memref_squeeze %dma_start3A_70 : memref<1x56xi32, #tpu.memory_space<vmem>> -> memref<56xi32, #tpu.memory_space<vmem>>
      %dma_start3A_72 = arith.constant 0 : i32
      %dma_start3A_73 = arith.constant 0 : i32
      %dma_start3A_74 = tpu.memref_slice %arg3[%dma_start3A_72, %dma_start3A_73] : memref<1000000x64xf32, #tpu.memory_space<hbm>> -> memref<1000000x64xf32, #tpu.memory_space<hbm>>
      tpu.enqueue_indirect_dma source(%dma_start3A_74 : memref<1000000x64xf32, #tpu.memory_space<hbm>>) target(%dma_start3A_68 : memref<56x64xf32, #tpu.memory_space<vmem>>) offsets(%dma_start3A_71 : memref<56xi32, #tpu.memory_space<vmem>>) semaphore(%arg11 : memref<!tpu.dma_semaphore, #tpu.memory_space<semaphore_mem>>)
      %add3A_75 = arith.constant 5 : i32
      %add3A_76 = arith.addi %mul3A_10, %add3A_75 : i32
      %dma_start3A_77 = arith.constant 5 : i32
      %dma_start3A_78 = arith.constant 0 : i32
      %dma_start3A_79 = arith.constant 0 : i32
      %dma_start3A_80 = tpu.memref_slice %arg6[%dma_start3A_77, %dma_start3A_78, %dma_start3A_79] : memref<16x56x64xf32, #tpu.memory_space<vmem>> -> memref<1x56x64xf32, #tpu.memory_space<vmem>>
      %dma_start3A_81 = tpu.memref_squeeze %dma_start3A_80 : memref<1x56x64xf32, #tpu.memory_space<vmem>> -> memref<56x64xf32, #tpu.memory_space<vmem>>
      %dma_start3A_82 = arith.constant 0 : i32
      %dma_start3A_83 = tpu.memref_slice %arg5[%add3A_76, %dma_start3A_82] : memref<128x56xi32, #tpu.memory_space<vmem>> -> memref<1x56xi32, #tpu.memory_space<vmem>>
      %dma_start3A_84 = tpu.memref_squeeze %dma_start3A_83 : memref<1x56xi32, #tpu.memory_space<vmem>> -> memref<56xi32, #tpu.memory_space<vmem>>
      %dma_start3A_85 = arith.constant 0 : i32
      %dma_start3A_86 = arith.constant 0 : i32
      %dma_start3A_87 = tpu.memref_slice %arg3[%dma_start3A_85, %dma_start3A_86] : memref<1000000x64xf32, #tpu.memory_space<hbm>> -> memref<1000000x64xf32, #tpu.memory_space<hbm>>
      tpu.enqueue_indirect_dma source(%dma_start3A_87 : memref<1000000x64xf32, #tpu.memory_space<hbm>>) target(%dma_start3A_81 : memref<56x64xf32, #tpu.memory_space<vmem>>) offsets(%dma_start3A_84 : memref<56xi32, #tpu.memory_space<vmem>>) semaphore(%arg12 : memref<!tpu.dma_semaphore, #tpu.memory_space<semaphore_mem>>)
      %add3A_88 = arith.constant 6 : i32
      %add3A_89 = arith.addi %mul3A_10, %add3A_88 : i32
      %dma_start3A_90 = arith.constant 6 : i32
      %dma_start3A_91 = arith.constant 0 : i32
      %dma_start3A_92 = arith.constant 0 : i32
      %dma_start3A_93 = tpu.memref_slice %arg6[%dma_start3A_90, %dma_start3A_91, %dma_start3A_92] : memref<16x56x64xf32, #tpu.memory_space<vmem>> -> memref<1x56x64xf32, #tpu.memory_space<vmem>>
      %dma_start3A_94 = tpu.memref_squeeze %dma_start3A_93 : memref<1x56x64xf32, #tpu.memory_space<vmem>> -> memref<56x64xf32, #tpu.memory_space<vmem>>
      %dma_start3A_95 = arith.constant 0 : i32
      %dma_start3A_96 = tpu.memref_slice %arg5[%add3A_89, %dma_start3A_95] : memref<128x56xi32, #tpu.memory_space<vmem>> -> memref<1x56xi32, #tpu.memory_space<vmem>>
      %dma_start3A_97 = tpu.memref_squeeze %dma_start3A_96 : memref<1x56xi32, #tpu.memory_space<vmem>> -> memref<56xi32, #tpu.memory_space<vmem>>
      %dma_start3A_98 = arith.constant 0 : i32
      %dma_start3A_99 = arith.constant 0 : i32
      %dma_start3A_100 = tpu.memref_slice %arg3[%dma_start3A_98, %dma_start3A_99] : memref<1000000x64xf32, #tpu.memory_space<hbm>> -> memref<1000000x64xf32, #tpu.memory_space<hbm>>
      tpu.enqueue_indirect_dma source(%dma_start3A_100 : memref<1000000x64xf32, #tpu.memory_space<hbm>>) target(%dma_start3A_94 : memref<56x64xf32, #tpu.memory_space<vmem>>) offsets(%dma_start3A_97 : memref<56xi32, #tpu.memory_space<vmem>>) semaphore(%arg13 : memref<!tpu.dma_semaphore, #tpu.memory_space<semaphore_mem>>)
      %add3A_101 = arith.constant 7 : i32
      %add3A_102 = arith.addi %mul3A_10, %add3A_101 : i32
      %dma_start3A_103 = arith.constant 7 : i32
      %dma_start3A_104 = arith.constant 0 : i32
      %dma_start3A_105 = arith.constant 0 : i32
      %dma_start3A_106 = tpu.memref_slice %arg6[%dma_start3A_103, %dma_start3A_104, %dma_start3A_105] : memref<16x56x64xf32, #tpu.memory_space<vmem>> -> memref<1x56x64xf32, #tpu.memory_space<vmem>>
      %dma_start3A_107 = tpu.memref_squeeze %dma_start3A_106 : memref<1x56x64xf32, #tpu.memory_space<vmem>> -> memref<56x64xf32, #tpu.memory_space<vmem>>
      %dma_start3A_108 = arith.constant 0 : i32
      %dma_start3A_109 = tpu.memref_slice %arg5[%add3A_102, %dma_start3A_108] : memref<128x56xi32, #tpu.memory_space<vmem>> -> memref<1x56xi32, #tpu.memory_space<vmem>>
      %dma_start3A_110 = tpu.memref_squeeze %dma_start3A_109 : memref<1x56xi32, #tpu.memory_space<vmem>> -> memref<56xi32, #tpu.memory_space<vmem>>
      %dma_start3A_111 = arith.constant 0 : i32
      %dma_start3A_112 = arith.constant 0 : i32
      %dma_start3A_113 = tpu.memref_slice %arg3[%dma_start3A_111, %dma_start3A_112] : memref<1000000x64xf32, #tpu.memory_space<hbm>> -> memref<1000000x64xf32, #tpu.memory_space<hbm>>
      tpu.enqueue_indirect_dma source(%dma_start3A_113 : memref<1000000x64xf32, #tpu.memory_space<hbm>>) target(%dma_start3A_107 : memref<56x64xf32, #tpu.memory_space<vmem>>) offsets(%dma_start3A_110 : memref<56xi32, #tpu.memory_space<vmem>>) semaphore(%arg14 : memref<!tpu.dma_semaphore, #tpu.memory_space<semaphore_mem>>)
      %add3A_114 = arith.constant 8 : i32
      %add3A_115 = arith.addi %mul3A_10, %add3A_114 : i32
      %dma_start3A_116 = arith.constant 8 : i32
      %dma_start3A_117 = arith.constant 0 : i32
      %dma_start3A_118 = arith.constant 0 : i32
      %dma_start3A_119 = tpu.memref_slice %arg6[%dma_start3A_116, %dma_start3A_117, %dma_start3A_118] : memref<16x56x64xf32, #tpu.memory_space<vmem>> -> memref<1x56x64xf32, #tpu.memory_space<vmem>>
      %dma_start3A_120 = tpu.memref_squeeze %dma_start3A_119 : memref<1x56x64xf32, #tpu.memory_space<vmem>> -> memref<56x64xf32, #tpu.memory_space<vmem>>
      %dma_start3A_121 = arith.constant 0 : i32
      %dma_start3A_122 = tpu.memref_slice %arg5[%add3A_115, %dma_start3A_121] : memref<128x56xi32, #tpu.memory_space<vmem>> -> memref<1x56xi32, #tpu.memory_space<vmem>>
      %dma_start3A_123 = tpu.memref_squeeze %dma_start3A_122 : memref<1x56xi32, #tpu.memory_space<vmem>> -> memref<56xi32, #tpu.memory_space<vmem>>
      %dma_start3A_124 = arith.constant 0 : i32
      %dma_start3A_125 = arith.constant 0 : i32
      %dma_start3A_126 = tpu.memref_slice %arg3[%dma_start3A_124, %dma_start3A_125] : memref<1000000x64xf32, #tpu.memory_space<hbm>> -> memref<1000000x64xf32, #tpu.memory_space<hbm>>
      tpu.enqueue_indirect_dma source(%dma_start3A_126 : memref<1000000x64xf32, #tpu.memory_space<hbm>>) target(%dma_start3A_120 : memref<56x64xf32, #tpu.memory_space<vmem>>) offsets(%dma_start3A_123 : memref<56xi32, #tpu.memory_space<vmem>>) semaphore(%arg15 : memref<!tpu.dma_semaphore, #tpu.memory_space<semaphore_mem>>)
      %add3A_127 = arith.constant 9 : i32
      %add3A_128 = arith.addi %mul3A_10, %add3A_127 : i32
      %dma_start3A_129 = arith.constant 9 : i32
      %dma_start3A_130 = arith.constant 0 : i32
      %dma_start3A_131 = arith.constant 0 : i32
      %dma_start3A_132 = tpu.memref_slice %arg6[%dma_start3A_129, %dma_start3A_130, %dma_start3A_131] : memref<16x56x64xf32, #tpu.memory_space<vmem>> -> memref<1x56x64xf32, #tpu.memory_space<vmem>>
      %dma_start3A_133 = tpu.memref_squeeze %dma_start3A_132 : memref<1x56x64xf32, #tpu.memory_space<vmem>> -> memref<56x64xf32, #tpu.memory_space<vmem>>
      %dma_start3A_134 = arith.constant 0 : i32
      %dma_start3A_135 = tpu.memref_slice %arg5[%add3A_128, %dma_start3A_134] : memref<128x56xi32, #tpu.memory_space<vmem>> -> memref<1x56xi32, #tpu.memory_space<vmem>>
      %dma_start3A_136 = tpu.memref_squeeze %dma_start3A_135 : memref<1x56xi32, #tpu.memory_space<vmem>> -> memref<56xi32, #tpu.memory_space<vmem>>
      %dma_start3A_137 = arith.constant 0 : i32
      %dma_start3A_138 = arith.constant 0 : i32
      %dma_start3A_139 = tpu.memref_slice %arg3[%dma_start3A_137, %dma_start3A_138] : memref<1000000x64xf32, #tpu.memory_space<hbm>> -> memref<1000000x64xf32, #tpu.memory_space<hbm>>
      tpu.enqueue_indirect_dma source(%dma_start3A_139 : memref<1000000x64xf32, #tpu.memory_space<hbm>>) target(%dma_start3A_133 : memref<56x64xf32, #tpu.memory_space<vmem>>) offsets(%dma_start3A_136 : memref<56xi32, #tpu.memory_space<vmem>>) semaphore(%arg16 : memref<!tpu.dma_semaphore, #tpu.memory_space<semaphore_mem>>)
      %add3A_140 = arith.constant 10 : i32
      %add3A_141 = arith.addi %mul3A_10, %add3A_140 : i32
      %dma_start3A_142 = arith.constant 10 : i32
      %dma_start3A_143 = arith.constant 0 : i32
      %dma_start3A_144 = arith.constant 0 : i32
      %dma_start3A_145 = tpu.memref_slice %arg6[%dma_start3A_142, %dma_start3A_143, %dma_start3A_144] : memref<16x56x64xf32, #tpu.memory_space<vmem>> -> memref<1x56x64xf32, #tpu.memory_space<vmem>>
      %dma_start3A_146 = tpu.memref_squeeze %dma_start3A_145 : memref<1x56x64xf32, #tpu.memory_space<vmem>> -> memref<56x64xf32, #tpu.memory_space<vmem>>
      %dma_start3A_147 = arith.constant 0 : i32
      %dma_start3A_148 = tpu.memref_slice %arg5[%add3A_141, %dma_start3A_147] : memref<128x56xi32, #tpu.memory_space<vmem>> -> memref<1x56xi32, #tpu.memory_space<vmem>>
      %dma_start3A_149 = tpu.memref_squeeze %dma_start3A_148 : memref<1x56xi32, #tpu.memory_space<vmem>> -> memref<56xi32, #tpu.memory_space<vmem>>
      %dma_start3A_150 = arith.constant 0 : i32
      %dma_start3A_151 = arith.constant 0 : i32
      %dma_start3A_152 = tpu.memref_slice %arg3[%dma_start3A_150, %dma_start3A_151] : memref<1000000x64xf32, #tpu.memory_space<hbm>> -> memref<1000000x64xf32, #tpu.memory_space<hbm>>
      tpu.enqueue_indirect_dma source(%dma_start3A_152 : memref<1000000x64xf32, #tpu.memory_space<hbm>>) target(%dma_start3A_146 : memref<56x64xf32, #tpu.memory_space<vmem>>) offsets(%dma_start3A_149 : memref<56xi32, #tpu.memory_space<vmem>>) semaphore(%arg17 : memref<!tpu.dma_semaphore, #tpu.memory_space<semaphore_mem>>)
      %add3A_153 = arith.constant 11 : i32
      %add3A_154 = arith.addi %mul3A_10, %add3A_153 : i32
      %dma_start3A_155 = arith.constant 11 : i32
      %dma_start3A_156 = arith.constant 0 : i32
      %dma_start3A_157 = arith.constant 0 : i32
      %dma_start3A_158 = tpu.memref_slice %arg6[%dma_start3A_155, %dma_start3A_156, %dma_start3A_157] : memref<16x56x64xf32, #tpu.memory_space<vmem>> -> memref<1x56x64xf32, #tpu.memory_space<vmem>>
      %dma_start3A_159 = tpu.memref_squeeze %dma_start3A_158 : memref<1x56x64xf32, #tpu.memory_space<vmem>> -> memref<56x64xf32, #tpu.memory_space<vmem>>
      %dma_start3A_160 = arith.constant 0 : i32
      %dma_start3A_161 = tpu.memref_slice %arg5[%add3A_154, %dma_start3A_160] : memref<128x56xi32, #tpu.memory_space<vmem>> -> memref<1x56xi32, #tpu.memory_space<vmem>>
      %dma_start3A_162 = tpu.memref_squeeze %dma_start3A_161 : memref<1x56xi32, #tpu.memory_space<vmem>> -> memref<56xi32, #tpu.memory_space<vmem>>
      %dma_start3A_163 = arith.constant 0 : i32
      %dma_start3A_164 = arith.constant 0 : i32
      %dma_start3A_165 = tpu.memref_slice %arg3[%dma_start3A_163, %dma_start3A_164] : memref<1000000x64xf32, #tpu.memory_space<hbm>> -> memref<1000000x64xf32, #tpu.memory_space<hbm>>
      tpu.enqueue_indirect_dma source(%dma_start3A_165 : memref<1000000x64xf32, #tpu.memory_space<hbm>>) target(%dma_start3A_159 : memref<56x64xf32, #tpu.memory_space<vmem>>) offsets(%dma_start3A_162 : memref<56xi32, #tpu.memory_space<vmem>>) semaphore(%arg18 : memref<!tpu.dma_semaphore, #tpu.memory_space<semaphore_mem>>)
      %add3A_166 = arith.constant 12 : i32
      %add3A_167 = arith.addi %mul3A_10, %add3A_166 : i32
      %dma_start3A_168 = arith.constant 12 : i32
      %dma_start3A_169 = arith.constant 0 : i32
      %dma_start3A_170 = arith.constant 0 : i32
      %dma_start3A_171 = tpu.memref_slice %arg6[%dma_start3A_168, %dma_start3A_169, %dma_start3A_170] : memref<16x56x64xf32, #tpu.memory_space<vmem>> -> memref<1x56x64xf32, #tpu.memory_space<vmem>>
      %dma_start3A_172 = tpu.memref_squeeze %dma_start3A_171 : memref<1x56x64xf32, #tpu.memory_space<vmem>> -> memref<56x64xf32, #tpu.memory_space<vmem>>
      %dma_start3A_173 = arith.constant 0 : i32
      %dma_start3A_174 = tpu.memref_slice %arg5[%add3A_167, %dma_start3A_173] : memref<128x56xi32, #tpu.memory_space<vmem>> -> memref<1x56xi32, #tpu.memory_space<vmem>>
      %dma_start3A_175 = tpu.memref_squeeze %dma_start3A_174 : memref<1x56xi32, #tpu.memory_space<vmem>> -> memref<56xi32, #tpu.memory_space<vmem>>
      %dma_start3A_176 = arith.constant 0 : i32
      %dma_start3A_177 = arith.constant 0 : i32
      %dma_start3A_178 = tpu.memref_slice %arg3[%dma_start3A_176, %dma_start3A_177] : memref<1000000x64xf32, #tpu.memory_space<hbm>> -> memref<1000000x64xf32, #tpu.memory_space<hbm>>
      tpu.enqueue_indirect_dma source(%dma_start3A_178 : memref<1000000x64xf32, #tpu.memory_space<hbm>>) target(%dma_start3A_172 : memref<56x64xf32, #tpu.memory_space<vmem>>) offsets(%dma_start3A_175 : memref<56xi32, #tpu.memory_space<vmem>>) semaphore(%arg19 : memref<!tpu.dma_semaphore, #tpu.memory_space<semaphore_mem>>)
      %add3A_179 = arith.constant 13 : i32
      %add3A_180 = arith.addi %mul3A_10, %add3A_179 : i32
      %dma_start3A_181 = arith.constant 13 : i32
      %dma_start3A_182 = arith.constant 0 : i32
      %dma_start3A_183 = arith.constant 0 : i32
      %dma_start3A_184 = tpu.memref_slice %arg6[%dma_start3A_181, %dma_start3A_182, %dma_start3A_183] : memref<16x56x64xf32, #tpu.memory_space<vmem>> -> memref<1x56x64xf32, #tpu.memory_space<vmem>>
      %dma_start3A_185 = tpu.memref_squeeze %dma_start3A_184 : memref<1x56x64xf32, #tpu.memory_space<vmem>> -> memref<56x64xf32, #tpu.memory_space<vmem>>
      %dma_start3A_186 = arith.constant 0 : i32
      %dma_start3A_187 = tpu.memref_slice %arg5[%add3A_180, %dma_start3A_186] : memref<128x56xi32, #tpu.memory_space<vmem>> -> memref<1x56xi32, #tpu.memory_space<vmem>>
      %dma_start3A_188 = tpu.memref_squeeze %dma_start3A_187 : memref<1x56xi32, #tpu.memory_space<vmem>> -> memref<56xi32, #tpu.memory_space<vmem>>
      %dma_start3A_189 = arith.constant 0 : i32
      %dma_start3A_190 = arith.constant 0 : i32
      %dma_start3A_191 = tpu.memref_slice %arg3[%dma_start3A_189, %dma_start3A_190] : memref<1000000x64xf32, #tpu.memory_space<hbm>> -> memref<1000000x64xf32, #tpu.memory_space<hbm>>
      tpu.enqueue_indirect_dma source(%dma_start3A_191 : memref<1000000x64xf32, #tpu.memory_space<hbm>>) target(%dma_start3A_185 : memref<56x64xf32, #tpu.memory_space<vmem>>) offsets(%dma_start3A_188 : memref<56xi32, #tpu.memory_space<vmem>>) semaphore(%arg20 : memref<!tpu.dma_semaphore, #tpu.memory_space<semaphore_mem>>)
      %add3A_192 = arith.constant 14 : i32
      %add3A_193 = arith.addi %mul3A_10, %add3A_192 : i32
      %dma_start3A_194 = arith.constant 14 : i32
      %dma_start3A_195 = arith.constant 0 : i32
      %dma_start3A_196 = arith.constant 0 : i32
      %dma_start3A_197 = tpu.memref_slice %arg6[%dma_start3A_194, %dma_start3A_195, %dma_start3A_196] : memref<16x56x64xf32, #tpu.memory_space<vmem>> -> memref<1x56x64xf32, #tpu.memory_space<vmem>>
      %dma_start3A_198 = tpu.memref_squeeze %dma_start3A_197 : memref<1x56x64xf32, #tpu.memory_space<vmem>> -> memref<56x64xf32, #tpu.memory_space<vmem>>
      %dma_start3A_199 = arith.constant 0 : i32
      %dma_start3A_200 = tpu.memref_slice %arg5[%add3A_193, %dma_start3A_199] : memref<128x56xi32, #tpu.memory_space<vmem>> -> memref<1x56xi32, #tpu.memory_space<vmem>>
      %dma_start3A_201 = tpu.memref_squeeze %dma_start3A_200 : memref<1x56xi32, #tpu.memory_space<vmem>> -> memref<56xi32, #tpu.memory_space<vmem>>
      %dma_start3A_202 = arith.constant 0 : i32
      %dma_start3A_203 = arith.constant 0 : i32
      %dma_start3A_204 = tpu.memref_slice %arg3[%dma_start3A_202, %dma_start3A_203] : memref<1000000x64xf32, #tpu.memory_space<hbm>> -> memref<1000000x64xf32, #tpu.memory_space<hbm>>
      tpu.enqueue_indirect_dma source(%dma_start3A_204 : memref<1000000x64xf32, #tpu.memory_space<hbm>>) target(%dma_start3A_198 : memref<56x64xf32, #tpu.memory_space<vmem>>) offsets(%dma_start3A_201 : memref<56xi32, #tpu.memory_space<vmem>>) semaphore(%arg21 : memref<!tpu.dma_semaphore, #tpu.memory_space<semaphore_mem>>)
      %add3A_205 = arith.constant 15 : i32
      %add3A_206 = arith.addi %mul3A_10, %add3A_205 : i32
      %dma_start3A_207 = arith.constant 15 : i32
      %dma_start3A_208 = arith.constant 0 : i32
      %dma_start3A_209 = arith.constant 0 : i32
      %dma_start3A_210 = tpu.memref_slice %arg6[%dma_start3A_207, %dma_start3A_208, %dma_start3A_209] : memref<16x56x64xf32, #tpu.memory_space<vmem>> -> memref<1x56x64xf32, #tpu.memory_space<vmem>>
      %dma_start3A_211 = tpu.memref_squeeze %dma_start3A_210 : memref<1x56x64xf32, #tpu.memory_space<vmem>> -> memref<56x64xf32, #tpu.memory_space<vmem>>
      %dma_start3A_212 = arith.constant 0 : i32
      %dma_start3A_213 = tpu.memref_slice %arg5[%add3A_206, %dma_start3A_212] : memref<128x56xi32, #tpu.memory_space<vmem>> -> memref<1x56xi32, #tpu.memory_space<vmem>>
      %dma_start3A_214 = tpu.memref_squeeze %dma_start3A_213 : memref<1x56xi32, #tpu.memory_space<vmem>> -> memref<56xi32, #tpu.memory_space<vmem>>
      %dma_start3A_215 = arith.constant 0 : i32
      %dma_start3A_216 = arith.constant 0 : i32
      %dma_start3A_217 = tpu.memref_slice %arg3[%dma_start3A_215, %dma_start3A_216] : memref<1000000x64xf32, #tpu.memory_space<hbm>> -> memref<1000000x64xf32, #tpu.memory_space<hbm>>
      tpu.enqueue_indirect_dma source(%dma_start3A_217 : memref<1000000x64xf32, #tpu.memory_space<hbm>>) target(%dma_start3A_211 : memref<56x64xf32, #tpu.memory_space<vmem>>) offsets(%dma_start3A_214 : memref<56xi32, #tpu.memory_space<vmem>>) semaphore(%arg22 : memref<!tpu.dma_semaphore, #tpu.memory_space<semaphore_mem>>)
      %dma_wait3A = arith.constant 0 : i32
      %dma_wait3A_218 = arith.constant 0 : i32
      %dma_wait3A_219 = arith.constant 0 : i32
      %dma_wait3A_220 = tpu.memref_slice %arg6[%dma_wait3A, %dma_wait3A_218, %dma_wait3A_219] : memref<16x56x64xf32, #tpu.memory_space<vmem>> -> memref<1x56x64xf32, #tpu.memory_space<vmem>>
      %dma_wait3A_221 = tpu.memref_squeeze %dma_wait3A_220 : memref<1x56x64xf32, #tpu.memory_space<vmem>> -> memref<56x64xf32, #tpu.memory_space<vmem>>
      %dma_wait3A_222 = arith.constant 0 : i32
      %dma_wait3A_223 = tpu.memref_slice %arg5[%add3A_12, %dma_wait3A_222] : memref<128x56xi32, #tpu.memory_space<vmem>> -> memref<1x56xi32, #tpu.memory_space<vmem>>
      %dma_wait3A_224 = tpu.memref_squeeze %dma_wait3A_223 : memref<1x56xi32, #tpu.memory_space<vmem>> -> memref<56xi32, #tpu.memory_space<vmem>>
      %dma_wait3A_225 = arith.constant 0 : i32
      %dma_wait3A_226 = arith.constant 0 : i32
      %dma_wait3A_227 = tpu.memref_slice %arg3[%dma_wait3A_225, %dma_wait3A_226] : memref<1000000x64xf32, #tpu.memory_space<hbm>> -> memref<1000000x64xf32, #tpu.memory_space<hbm>>
      tpu.wait_indirect_dma semaphore(%arg7 : memref<!tpu.dma_semaphore, #tpu.memory_space<semaphore_mem>>) src(%dma_wait3A_227 : memref<1000000x64xf32, #tpu.memory_space<hbm>>) dst(%dma_wait3A_221 : memref<56x64xf32, #tpu.memory_space<vmem>>)
      %add3A_228 = arith.addi %mul3A_2, %mul3A_10 : i32
      %add3A_229 = arith.constant 0 : i32
      %add3A_230 = arith.addi %add3A_228, %add3A_229 : i32
      %run_scoped3A = arith.constant 0 : i32
      "tpu.region"() ({
        %run_scoped3A_456 = tpu.sem_alloc : memref<!tpu.dma_semaphore, #tpu.memory_space<semaphore_mem>>
        %dma_start3A_457 = arith.constant 0 : i32
        %dma_start3A_458 = arith.constant 0 : i32
        %dma_start3A_459 = tpu.memref_slice %arg6[%run_scoped3A, %dma_start3A_457, %dma_start3A_458] : memref<16x56x64xf32, #tpu.memory_space<vmem>> -> memref<1x56x64xf32, #tpu.memory_space<vmem>>
        %dma_start3A_460 = tpu.memref_squeeze %dma_start3A_459 : memref<1x56x64xf32, #tpu.memory_space<vmem>> -> memref<56x64xf32, #tpu.memory_space<vmem>>
        %dma_start3A_461 = arith.constant 0 : i32
        %dma_start3A_462 = arith.constant 0 : i32
        %dma_start3A_463 = tpu.memref_slice %arg4[%add3A_230, %dma_start3A_461, %dma_start3A_462] : memref<4096x56x128xf32, #tpu.memory_space<hbm>> -> memref<1x56x64xf32, #tpu.memory_space<hbm>>
        %dma_start3A_464 = tpu.memref_squeeze %dma_start3A_463 : memref<1x56x64xf32, #tpu.memory_space<hbm>> -> memref<56x64xf32, #tpu.memory_space<hbm>>
        %dma_start3A_465 = arith.constant 0 : i32
        %dma_start3A_466 = arith.constant 0 : i32
        %dma_start3A_467 = tpu.memref_slice %arg4[%add3A_230, %dma_start3A_465, %dma_start3A_466] : memref<4096x56x128xf32, #tpu.memory_space<hbm>> -> memref<1x56x64xf32, #tpu.memory_space<hbm>>
        %dma_start3A_468 = tpu.memref_squeeze %dma_start3A_467 : memref<1x56x64xf32, #tpu.memory_space<hbm>> -> memref<56x64xf32, #tpu.memory_space<hbm>>
        %dma_start3A_469 = arith.constant 0 : i32
        %dma_start3A_470 = arith.constant 0 : i32
        %dma_start3A_471 = tpu.memref_slice %arg6[%run_scoped3A, %dma_start3A_469, %dma_start3A_470] : memref<16x56x64xf32, #tpu.memory_space<vmem>> -> memref<1x56x64xf32, #tpu.memory_space<vmem>>
        %dma_start3A_472 = tpu.memref_squeeze %dma_start3A_471 : memref<1x56x64xf32, #tpu.memory_space<vmem>> -> memref<56x64xf32, #tpu.memory_space<vmem>>
        tpu.enqueue_dma source(%dma_start3A_472 : memref<56x64xf32, #tpu.memory_space<vmem>>) target(%dma_start3A_468 : memref<56x64xf32, #tpu.memory_space<hbm>>) target_semaphore(%run_scoped3A_456 : memref<!tpu.dma_semaphore, #tpu.memory_space<semaphore_mem>>)
        %dma_wait3A_473 = arith.constant 0 : i32
        %dma_wait3A_474 = arith.constant 0 : i32
        %dma_wait3A_475 = tpu.memref_slice %arg6[%run_scoped3A, %dma_wait3A_473, %dma_wait3A_474] : memref<16x56x64xf32, #tpu.memory_space<vmem>> -> memref<1x56x64xf32, #tpu.memory_space<vmem>>
        %dma_wait3A_476 = tpu.memref_squeeze %dma_wait3A_475 : memref<1x56x64xf32, #tpu.memory_space<vmem>> -> memref<56x64xf32, #tpu.memory_space<vmem>>
        %dma_wait3A_477 = arith.constant 0 : i32
        %dma_wait3A_478 = arith.constant 0 : i32
        %dma_wait3A_479 = tpu.memref_slice %arg4[%add3A_230, %dma_wait3A_477, %dma_wait3A_478] : memref<4096x56x128xf32, #tpu.memory_space<hbm>> -> memref<1x56x64xf32, #tpu.memory_space<hbm>>
        %dma_wait3A_480 = tpu.memref_squeeze %dma_wait3A_479 : memref<1x56x64xf32, #tpu.memory_space<hbm>> -> memref<56x64xf32, #tpu.memory_space<hbm>>
        %dma_wait3A_481 = arith.constant 0 : i32
        %dma_wait3A_482 = arith.constant 0 : i32
        %dma_wait3A_483 = tpu.memref_slice %arg4[%add3A_230, %dma_wait3A_481, %dma_wait3A_482] : memref<4096x56x128xf32, #tpu.memory_space<hbm>> -> memref<1x56x64xf32, #tpu.memory_space<hbm>>
        %dma_wait3A_484 = tpu.memref_squeeze %dma_wait3A_483 : memref<1x56x64xf32, #tpu.memory_space<hbm>> -> memref<56x64xf32, #tpu.memory_space<hbm>>
        %dma_wait3A_485 = arith.constant 0 : i32
        %dma_wait3A_486 = arith.constant 0 : i32
        %dma_wait3A_487 = tpu.memref_slice %arg6[%run_scoped3A, %dma_wait3A_485, %dma_wait3A_486] : memref<16x56x64xf32, #tpu.memory_space<vmem>> -> memref<1x56x64xf32, #tpu.memory_space<vmem>>
        %dma_wait3A_488 = tpu.memref_squeeze %dma_wait3A_487 : memref<1x56x64xf32, #tpu.memory_space<vmem>> -> memref<56x64xf32, #tpu.memory_space<vmem>>
        tpu.wait_dma2 semaphore(%run_scoped3A_456 : memref<!tpu.dma_semaphore, #tpu.memory_space<semaphore_mem>>) src(%dma_wait3A_488 : memref<56x64xf32, #tpu.memory_space<vmem>>) dst(%dma_wait3A_484 : memref<56x64xf32, #tpu.memory_space<hbm>>)
        tpu.yield
      }) : () -> ()
      %dma_wait3A_231 = arith.constant 1 : i32
      %dma_wait3A_232 = arith.constant 0 : i32
      %dma_wait3A_233 = arith.constant 0 : i32
      %dma_wait3A_234 = tpu.memref_slice %arg6[%dma_wait3A_231, %dma_wait3A_232, %dma_wait3A_233] : memref<16x56x64xf32, #tpu.memory_space<vmem>> -> memref<1x56x64xf32, #tpu.memory_space<vmem>>
      %dma_wait3A_235 = tpu.memref_squeeze %dma_wait3A_234 : memref<1x56x64xf32, #tpu.memory_space<vmem>> -> memref<56x64xf32, #tpu.memory_space<vmem>>
      %dma_wait3A_236 = arith.constant 0 : i32
      %dma_wait3A_237 = tpu.memref_slice %arg5[%add3A_24, %dma_wait3A_236] : memref<128x56xi32, #tpu.memory_space<vmem>> -> memref<1x56xi32, #tpu.memory_space<vmem>>
      %dma_wait3A_238 = tpu.memref_squeeze %dma_wait3A_237 : memref<1x56xi32, #tpu.memory_space<vmem>> -> memref<56xi32, #tpu.memory_space<vmem>>
      %dma_wait3A_239 = arith.constant 0 : i32
      %dma_wait3A_240 = arith.constant 0 : i32
      %dma_wait3A_241 = tpu.memref_slice %arg3[%dma_wait3A_239, %dma_wait3A_240] : memref<1000000x64xf32, #tpu.memory_space<hbm>> -> memref<1000000x64xf32, #tpu.memory_space<hbm>>
      tpu.wait_indirect_dma semaphore(%arg8 : memref<!tpu.dma_semaphore, #tpu.memory_space<semaphore_mem>>) src(%dma_wait3A_241 : memref<1000000x64xf32, #tpu.memory_space<hbm>>) dst(%dma_wait3A_235 : memref<56x64xf32, #tpu.memory_space<vmem>>)
      %add3A_242 = arith.addi %mul3A_2, %mul3A_10 : i32
      %add3A_243 = arith.constant 1 : i32
      %add3A_244 = arith.addi %add3A_242, %add3A_243 : i32
      %run_scoped3A_245 = arith.constant 1 : i32
      "tpu.region"() ({
        %run_scoped3A_456 = tpu.sem_alloc : memref<!tpu.dma_semaphore, #tpu.memory_space<semaphore_mem>>
        %dma_start3A_457 = arith.constant 0 : i32
        %dma_start3A_458 = arith.constant 0 : i32
        %dma_start3A_459 = tpu.memref_slice %arg6[%run_scoped3A_245, %dma_start3A_457, %dma_start3A_458] : memref<16x56x64xf32, #tpu.memory_space<vmem>> -> memref<1x56x64xf32, #tpu.memory_space<vmem>>
        %dma_start3A_460 = tpu.memref_squeeze %dma_start3A_459 : memref<1x56x64xf32, #tpu.memory_space<vmem>> -> memref<56x64xf32, #tpu.memory_space<vmem>>
        %dma_start3A_461 = arith.constant 0 : i32
        %dma_start3A_462 = arith.constant 0 : i32
        %dma_start3A_463 = tpu.memref_slice %arg4[%add3A_244, %dma_start3A_461, %dma_start3A_462] : memref<4096x56x128xf32, #tpu.memory_space<hbm>> -> memref<1x56x64xf32, #tpu.memory_space<hbm>>
        %dma_start3A_464 = tpu.memref_squeeze %dma_start3A_463 : memref<1x56x64xf32, #tpu.memory_space<hbm>> -> memref<56x64xf32, #tpu.memory_space<hbm>>
        %dma_start3A_465 = arith.constant 0 : i32
        %dma_start3A_466 = arith.constant 0 : i32
        %dma_start3A_467 = tpu.memref_slice %arg4[%add3A_244, %dma_start3A_465, %dma_start3A_466] : memref<4096x56x128xf32, #tpu.memory_space<hbm>> -> memref<1x56x64xf32, #tpu.memory_space<hbm>>
        %dma_start3A_468 = tpu.memref_squeeze %dma_start3A_467 : memref<1x56x64xf32, #tpu.memory_space<hbm>> -> memref<56x64xf32, #tpu.memory_space<hbm>>
        %dma_start3A_469 = arith.constant 0 : i32
        %dma_start3A_470 = arith.constant 0 : i32
        %dma_start3A_471 = tpu.memref_slice %arg6[%run_scoped3A_245, %dma_start3A_469, %dma_start3A_470] : memref<16x56x64xf32, #tpu.memory_space<vmem>> -> memref<1x56x64xf32, #tpu.memory_space<vmem>>
        %dma_start3A_472 = tpu.memref_squeeze %dma_start3A_471 : memref<1x56x64xf32, #tpu.memory_space<vmem>> -> memref<56x64xf32, #tpu.memory_space<vmem>>
        tpu.enqueue_dma source(%dma_start3A_472 : memref<56x64xf32, #tpu.memory_space<vmem>>) target(%dma_start3A_468 : memref<56x64xf32, #tpu.memory_space<hbm>>) target_semaphore(%run_scoped3A_456 : memref<!tpu.dma_semaphore, #tpu.memory_space<semaphore_mem>>)
        %dma_wait3A_473 = arith.constant 0 : i32
        %dma_wait3A_474 = arith.constant 0 : i32
        %dma_wait3A_475 = tpu.memref_slice %arg6[%run_scoped3A_245, %dma_wait3A_473, %dma_wait3A_474] : memref<16x56x64xf32, #tpu.memory_space<vmem>> -> memref<1x56x64xf32, #tpu.memory_space<vmem>>
        %dma_wait3A_476 = tpu.memref_squeeze %dma_wait3A_475 : memref<1x56x64xf32, #tpu.memory_space<vmem>> -> memref<56x64xf32, #tpu.memory_space<vmem>>
        %dma_wait3A_477 = arith.constant 0 : i32
        %dma_wait3A_478 = arith.constant 0 : i32
        %dma_wait3A_479 = tpu.memref_slice %arg4[%add3A_244, %dma_wait3A_477, %dma_wait3A_478] : memref<4096x56x128xf32, #tpu.memory_space<hbm>> -> memref<1x56x64xf32, #tpu.memory_space<hbm>>
        %dma_wait3A_480 = tpu.memref_squeeze %dma_wait3A_479 : memref<1x56x64xf32, #tpu.memory_space<hbm>> -> memref<56x64xf32, #tpu.memory_space<hbm>>
        %dma_wait3A_481 = arith.constant 0 : i32
        %dma_wait3A_482 = arith.constant 0 : i32
        %dma_wait3A_483 = tpu.memref_slice %arg4[%add3A_244, %dma_wait3A_481, %dma_wait3A_482] : memref<4096x56x128xf32, #tpu.memory_space<hbm>> -> memref<1x56x64xf32, #tpu.memory_space<hbm>>
        %dma_wait3A_484 = tpu.memref_squeeze %dma_wait3A_483 : memref<1x56x64xf32, #tpu.memory_space<hbm>> -> memref<56x64xf32, #tpu.memory_space<hbm>>
        %dma_wait3A_485 = arith.constant 0 : i32
        %dma_wait3A_486 = arith.constant 0 : i32
        %dma_wait3A_487 = tpu.memref_slice %arg6[%run_scoped3A_245, %dma_wait3A_485, %dma_wait3A_486] : memref<16x56x64xf32, #tpu.memory_space<vmem>> -> memref<1x56x64xf32, #tpu.memory_space<vmem>>
        %dma_wait3A_488 = tpu.memref_squeeze %dma_wait3A_487 : memref<1x56x64xf32, #tpu.memory_space<vmem>> -> memref<56x64xf32, #tpu.memory_space<vmem>>
        tpu.wait_dma2 semaphore(%run_scoped3A_456 : memref<!tpu.dma_semaphore, #tpu.memory_space<semaphore_mem>>) src(%dma_wait3A_488 : memref<56x64xf32, #tpu.memory_space<vmem>>) dst(%dma_wait3A_484 : memref<56x64xf32, #tpu.memory_space<hbm>>)
        tpu.yield
      }) : () -> ()
      %dma_wait3A_246 = arith.constant 2 : i32
      %dma_wait3A_247 = arith.constant 0 : i32
      %dma_wait3A_248 = arith.constant 0 : i32
      %dma_wait3A_249 = tpu.memref_slice %arg6[%dma_wait3A_246, %dma_wait3A_247, %dma_wait3A_248] : memref<16x56x64xf32, #tpu.memory_space<vmem>> -> memref<1x56x64xf32, #tpu.memory_space<vmem>>
      %dma_wait3A_250 = tpu.memref_squeeze %dma_wait3A_249 : memref<1x56x64xf32, #tpu.memory_space<vmem>> -> memref<56x64xf32, #tpu.memory_space<vmem>>
      %dma_wait3A_251 = arith.constant 0 : i32
      %dma_wait3A_252 = tpu.memref_slice %arg5[%add3A_37, %dma_wait3A_251] : memref<128x56xi32, #tpu.memory_space<vmem>> -> memref<1x56xi32, #tpu.memory_space<vmem>>
      %dma_wait3A_253 = tpu.memref_squeeze %dma_wait3A_252 : memref<1x56xi32, #tpu.memory_space<vmem>> -> memref<56xi32, #tpu.memory_space<vmem>>
      %dma_wait3A_254 = arith.constant 0 : i32
      %dma_wait3A_255 = arith.constant 0 : i32
      %dma_wait3A_256 = tpu.memref_slice %arg3[%dma_wait3A_254, %dma_wait3A_255] : memref<1000000x64xf32, #tpu.memory_space<hbm>> -> memref<1000000x64xf32, #tpu.memory_space<hbm>>
      tpu.wait_indirect_dma semaphore(%arg9 : memref<!tpu.dma_semaphore, #tpu.memory_space<semaphore_mem>>) src(%dma_wait3A_256 : memref<1000000x64xf32, #tpu.memory_space<hbm>>) dst(%dma_wait3A_250 : memref<56x64xf32, #tpu.memory_space<vmem>>)
      %add3A_257 = arith.addi %mul3A_2, %mul3A_10 : i32
      %add3A_258 = arith.constant 2 : i32
      %add3A_259 = arith.addi %add3A_257, %add3A_258 : i32
      %run_scoped3A_260 = arith.constant 2 : i32
      "tpu.region"() ({
        %run_scoped3A_456 = tpu.sem_alloc : memref<!tpu.dma_semaphore, #tpu.memory_space<semaphore_mem>>
        %dma_start3A_457 = arith.constant 0 : i32
        %dma_start3A_458 = arith.constant 0 : i32
        %dma_start3A_459 = tpu.memref_slice %arg6[%run_scoped3A_260, %dma_start3A_457, %dma_start3A_458] : memref<16x56x64xf32, #tpu.memory_space<vmem>> -> memref<1x56x64xf32, #tpu.memory_space<vmem>>
        %dma_start3A_460 = tpu.memref_squeeze %dma_start3A_459 : memref<1x56x64xf32, #tpu.memory_space<vmem>> -> memref<56x64xf32, #tpu.memory_space<vmem>>
        %dma_start3A_461 = arith.constant 0 : i32
        %dma_start3A_462 = arith.constant 0 : i32
        %dma_start3A_463 = tpu.memref_slice %arg4[%add3A_259, %dma_start3A_461, %dma_start3A_462] : memref<4096x56x128xf32, #tpu.memory_space<hbm>> -> memref<1x56x64xf32, #tpu.memory_space<hbm>>
        %dma_start3A_464 = tpu.memref_squeeze %dma_start3A_463 : memref<1x56x64xf32, #tpu.memory_space<hbm>> -> memref<56x64xf32, #tpu.memory_space<hbm>>
        %dma_start3A_465 = arith.constant 0 : i32
        %dma_start3A_466 = arith.constant 0 : i32
        %dma_start3A_467 = tpu.memref_slice %arg4[%add3A_259, %dma_start3A_465, %dma_start3A_466] : memref<4096x56x128xf32, #tpu.memory_space<hbm>> -> memref<1x56x64xf32, #tpu.memory_space<hbm>>
        %dma_start3A_468 = tpu.memref_squeeze %dma_start3A_467 : memref<1x56x64xf32, #tpu.memory_space<hbm>> -> memref<56x64xf32, #tpu.memory_space<hbm>>
        %dma_start3A_469 = arith.constant 0 : i32
        %dma_start3A_470 = arith.constant 0 : i32
        %dma_start3A_471 = tpu.memref_slice %arg6[%run_scoped3A_260, %dma_start3A_469, %dma_start3A_470] : memref<16x56x64xf32, #tpu.memory_space<vmem>> -> memref<1x56x64xf32, #tpu.memory_space<vmem>>
        %dma_start3A_472 = tpu.memref_squeeze %dma_start3A_471 : memref<1x56x64xf32, #tpu.memory_space<vmem>> -> memref<56x64xf32, #tpu.memory_space<vmem>>
        tpu.enqueue_dma source(%dma_start3A_472 : memref<56x64xf32, #tpu.memory_space<vmem>>) target(%dma_start3A_468 : memref<56x64xf32, #tpu.memory_space<hbm>>) target_semaphore(%run_scoped3A_456 : memref<!tpu.dma_semaphore, #tpu.memory_space<semaphore_mem>>)
        %dma_wait3A_473 = arith.constant 0 : i32
        %dma_wait3A_474 = arith.constant 0 : i32
        %dma_wait3A_475 = tpu.memref_slice %arg6[%run_scoped3A_260, %dma_wait3A_473, %dma_wait3A_474] : memref<16x56x64xf32, #tpu.memory_space<vmem>> -> memref<1x56x64xf32, #tpu.memory_space<vmem>>
        %dma_wait3A_476 = tpu.memref_squeeze %dma_wait3A_475 : memref<1x56x64xf32, #tpu.memory_space<vmem>> -> memref<56x64xf32, #tpu.memory_space<vmem>>
        %dma_wait3A_477 = arith.constant 0 : i32
        %dma_wait3A_478 = arith.constant 0 : i32
        %dma_wait3A_479 = tpu.memref_slice %arg4[%add3A_259, %dma_wait3A_477, %dma_wait3A_478] : memref<4096x56x128xf32, #tpu.memory_space<hbm>> -> memref<1x56x64xf32, #tpu.memory_space<hbm>>
        %dma_wait3A_480 = tpu.memref_squeeze %dma_wait3A_479 : memref<1x56x64xf32, #tpu.memory_space<hbm>> -> memref<56x64xf32, #tpu.memory_space<hbm>>
        %dma_wait3A_481 = arith.constant 0 : i32
        %dma_wait3A_482 = arith.constant 0 : i32
        %dma_wait3A_483 = tpu.memref_slice %arg4[%add3A_259, %dma_wait3A_481, %dma_wait3A_482] : memref<4096x56x128xf32, #tpu.memory_space<hbm>> -> memref<1x56x64xf32, #tpu.memory_space<hbm>>
        %dma_wait3A_484 = tpu.memref_squeeze %dma_wait3A_483 : memref<1x56x64xf32, #tpu.memory_space<hbm>> -> memref<56x64xf32, #tpu.memory_space<hbm>>
        %dma_wait3A_485 = arith.constant 0 : i32
        %dma_wait3A_486 = arith.constant 0 : i32
        %dma_wait3A_487 = tpu.memref_slice %arg6[%run_scoped3A_260, %dma_wait3A_485, %dma_wait3A_486] : memref<16x56x64xf32, #tpu.memory_space<vmem>> -> memref<1x56x64xf32, #tpu.memory_space<vmem>>
        %dma_wait3A_488 = tpu.memref_squeeze %dma_wait3A_487 : memref<1x56x64xf32, #tpu.memory_space<vmem>> -> memref<56x64xf32, #tpu.memory_space<vmem>>
        tpu.wait_dma2 semaphore(%run_scoped3A_456 : memref<!tpu.dma_semaphore, #tpu.memory_space<semaphore_mem>>) src(%dma_wait3A_488 : memref<56x64xf32, #tpu.memory_space<vmem>>) dst(%dma_wait3A_484 : memref<56x64xf32, #tpu.memory_space<hbm>>)
        tpu.yield
      }) : () -> ()
      %dma_wait3A_261 = arith.constant 3 : i32
      %dma_wait3A_262 = arith.constant 0 : i32
      %dma_wait3A_263 = arith.constant 0 : i32
      %dma_wait3A_264 = tpu.memref_slice %arg6[%dma_wait3A_261, %dma_wait3A_262, %dma_wait3A_263] : memref<16x56x64xf32, #tpu.memory_space<vmem>> -> memref<1x56x64xf32, #tpu.memory_space<vmem>>
      %dma_wait3A_265 = tpu.memref_squeeze %dma_wait3A_264 : memref<1x56x64xf32, #tpu.memory_space<vmem>> -> memref<56x64xf32, #tpu.memory_space<vmem>>
      %dma_wait3A_266 = arith.constant 0 : i32
      %dma_wait3A_267 = tpu.memref_slice %arg5[%add3A_50, %dma_wait3A_266] : memref<128x56xi32, #tpu.memory_space<vmem>> -> memref<1x56xi32, #tpu.memory_space<vmem>>
      %dma_wait3A_268 = tpu.memref_squeeze %dma_wait3A_267 : memref<1x56xi32, #tpu.memory_space<vmem>> -> memref<56xi32, #tpu.memory_space<vmem>>
      %dma_wait3A_269 = arith.constant 0 : i32
      %dma_wait3A_270 = arith.constant 0 : i32
      %dma_wait3A_271 = tpu.memref_slice %arg3[%dma_wait3A_269, %dma_wait3A_270] : memref<1000000x64xf32, #tpu.memory_space<hbm>> -> memref<1000000x64xf32, #tpu.memory_space<hbm>>
      tpu.wait_indirect_dma semaphore(%arg10 : memref<!tpu.dma_semaphore, #tpu.memory_space<semaphore_mem>>) src(%dma_wait3A_271 : memref<1000000x64xf32, #tpu.memory_space<hbm>>) dst(%dma_wait3A_265 : memref<56x64xf32, #tpu.memory_space<vmem>>)
      %add3A_272 = arith.addi %mul3A_2, %mul3A_10 : i32
      %add3A_273 = arith.constant 3 : i32
      %add3A_274 = arith.addi %add3A_272, %add3A_273 : i32
      %run_scoped3A_275 = arith.constant 3 : i32
      "tpu.region"() ({
        %run_scoped3A_456 = tpu.sem_alloc : memref<!tpu.dma_semaphore, #tpu.memory_space<semaphore_mem>>
        %dma_start3A_457 = arith.constant 0 : i32
        %dma_start3A_458 = arith.constant 0 : i32
        %dma_start3A_459 = tpu.memref_slice %arg6[%run_scoped3A_275, %dma_start3A_457, %dma_start3A_458] : memref<16x56x64xf32, #tpu.memory_space<vmem>> -> memref<1x56x64xf32, #tpu.memory_space<vmem>>
        %dma_start3A_460 = tpu.memref_squeeze %dma_start3A_459 : memref<1x56x64xf32, #tpu.memory_space<vmem>> -> memref<56x64xf32, #tpu.memory_space<vmem>>
        %dma_start3A_461 = arith.constant 0 : i32
        %dma_start3A_462 = arith.constant 0 : i32
        %dma_start3A_463 = tpu.memref_slice %arg4[%add3A_274, %dma_start3A_461, %dma_start3A_462] : memref<4096x56x128xf32, #tpu.memory_space<hbm>> -> memref<1x56x64xf32, #tpu.memory_space<hbm>>
        %dma_start3A_464 = tpu.memref_squeeze %dma_start3A_463 : memref<1x56x64xf32, #tpu.memory_space<hbm>> -> memref<56x64xf32, #tpu.memory_space<hbm>>
        %dma_start3A_465 = arith.constant 0 : i32
        %dma_start3A_466 = arith.constant 0 : i32
        %dma_start3A_467 = tpu.memref_slice %arg4[%add3A_274, %dma_start3A_465, %dma_start3A_466] : memref<4096x56x128xf32, #tpu.memory_space<hbm>> -> memref<1x56x64xf32, #tpu.memory_space<hbm>>
        %dma_start3A_468 = tpu.memref_squeeze %dma_start3A_467 : memref<1x56x64xf32, #tpu.memory_space<hbm>> -> memref<56x64xf32, #tpu.memory_space<hbm>>
        %dma_start3A_469 = arith.constant 0 : i32
        %dma_start3A_470 = arith.constant 0 : i32
        %dma_start3A_471 = tpu.memref_slice %arg6[%run_scoped3A_275, %dma_start3A_469, %dma_start3A_470] : memref<16x56x64xf32, #tpu.memory_space<vmem>> -> memref<1x56x64xf32, #tpu.memory_space<vmem>>
        %dma_start3A_472 = tpu.memref_squeeze %dma_start3A_471 : memref<1x56x64xf32, #tpu.memory_space<vmem>> -> memref<56x64xf32, #tpu.memory_space<vmem>>
        tpu.enqueue_dma source(%dma_start3A_472 : memref<56x64xf32, #tpu.memory_space<vmem>>) target(%dma_start3A_468 : memref<56x64xf32, #tpu.memory_space<hbm>>) target_semaphore(%run_scoped3A_456 : memref<!tpu.dma_semaphore, #tpu.memory_space<semaphore_mem>>)
        %dma_wait3A_473 = arith.constant 0 : i32
        %dma_wait3A_474 = arith.constant 0 : i32
        %dma_wait3A_475 = tpu.memref_slice %arg6[%run_scoped3A_275, %dma_wait3A_473, %dma_wait3A_474] : memref<16x56x64xf32, #tpu.memory_space<vmem>> -> memref<1x56x64xf32, #tpu.memory_space<vmem>>
        %dma_wait3A_476 = tpu.memref_squeeze %dma_wait3A_475 : memref<1x56x64xf32, #tpu.memory_space<vmem>> -> memref<56x64xf32, #tpu.memory_space<vmem>>
        %dma_wait3A_477 = arith.constant 0 : i32
        %dma_wait3A_478 = arith.constant 0 : i32
        %dma_wait3A_479 = tpu.memref_slice %arg4[%add3A_274, %dma_wait3A_477, %dma_wait3A_478] : memref<4096x56x128xf32, #tpu.memory_space<hbm>> -> memref<1x56x64xf32, #tpu.memory_space<hbm>>
        %dma_wait3A_480 = tpu.memref_squeeze %dma_wait3A_479 : memref<1x56x64xf32, #tpu.memory_space<hbm>> -> memref<56x64xf32, #tpu.memory_space<hbm>>
        %dma_wait3A_481 = arith.constant 0 : i32
        %dma_wait3A_482 = arith.constant 0 : i32
        %dma_wait3A_483 = tpu.memref_slice %arg4[%add3A_274, %dma_wait3A_481, %dma_wait3A_482] : memref<4096x56x128xf32, #tpu.memory_space<hbm>> -> memref<1x56x64xf32, #tpu.memory_space<hbm>>
        %dma_wait3A_484 = tpu.memref_squeeze %dma_wait3A_483 : memref<1x56x64xf32, #tpu.memory_space<hbm>> -> memref<56x64xf32, #tpu.memory_space<hbm>>
        %dma_wait3A_485 = arith.constant 0 : i32
        %dma_wait3A_486 = arith.constant 0 : i32
        %dma_wait3A_487 = tpu.memref_slice %arg6[%run_scoped3A_275, %dma_wait3A_485, %dma_wait3A_486] : memref<16x56x64xf32, #tpu.memory_space<vmem>> -> memref<1x56x64xf32, #tpu.memory_space<vmem>>
        %dma_wait3A_488 = tpu.memref_squeeze %dma_wait3A_487 : memref<1x56x64xf32, #tpu.memory_space<vmem>> -> memref<56x64xf32, #tpu.memory_space<vmem>>
        tpu.wait_dma2 semaphore(%run_scoped3A_456 : memref<!tpu.dma_semaphore, #tpu.memory_space<semaphore_mem>>) src(%dma_wait3A_488 : memref<56x64xf32, #tpu.memory_space<vmem>>) dst(%dma_wait3A_484 : memref<56x64xf32, #tpu.memory_space<hbm>>)
        tpu.yield
      }) : () -> ()
      %dma_wait3A_276 = arith.constant 4 : i32
      %dma_wait3A_277 = arith.constant 0 : i32
      %dma_wait3A_278 = arith.constant 0 : i32
      %dma_wait3A_279 = tpu.memref_slice %arg6[%dma_wait3A_276, %dma_wait3A_277, %dma_wait3A_278] : memref<16x56x64xf32, #tpu.memory_space<vmem>> -> memref<1x56x64xf32, #tpu.memory_space<vmem>>
      %dma_wait3A_280 = tpu.memref_squeeze %dma_wait3A_279 : memref<1x56x64xf32, #tpu.memory_space<vmem>> -> memref<56x64xf32, #tpu.memory_space<vmem>>
      %dma_wait3A_281 = arith.constant 0 : i32
      %dma_wait3A_282 = tpu.memref_slice %arg5[%add3A_63, %dma_wait3A_281] : memref<128x56xi32, #tpu.memory_space<vmem>> -> memref<1x56xi32, #tpu.memory_space<vmem>>
      %dma_wait3A_283 = tpu.memref_squeeze %dma_wait3A_282 : memref<1x56xi32, #tpu.memory_space<vmem>> -> memref<56xi32, #tpu.memory_space<vmem>>
      %dma_wait3A_284 = arith.constant 0 : i32
      %dma_wait3A_285 = arith.constant 0 : i32
      %dma_wait3A_286 = tpu.memref_slice %arg3[%dma_wait3A_284, %dma_wait3A_285] : memref<1000000x64xf32, #tpu.memory_space<hbm>> -> memref<1000000x64xf32, #tpu.memory_space<hbm>>
      tpu.wait_indirect_dma semaphore(%arg11 : memref<!tpu.dma_semaphore, #tpu.memory_space<semaphore_mem>>) src(%dma_wait3A_286 : memref<1000000x64xf32, #tpu.memory_space<hbm>>) dst(%dma_wait3A_280 : memref<56x64xf32, #tpu.memory_space<vmem>>)
      %add3A_287 = arith.addi %mul3A_2, %mul3A_10 : i32
      %add3A_288 = arith.constant 4 : i32
      %add3A_289 = arith.addi %add3A_287, %add3A_288 : i32
      %run_scoped3A_290 = arith.constant 4 : i32
      "tpu.region"() ({
        %run_scoped3A_456 = tpu.sem_alloc : memref<!tpu.dma_semaphore, #tpu.memory_space<semaphore_mem>>
        %dma_start3A_457 = arith.constant 0 : i32
        %dma_start3A_458 = arith.constant 0 : i32
        %dma_start3A_459 = tpu.memref_slice %arg6[%run_scoped3A_290, %dma_start3A_457, %dma_start3A_458] : memref<16x56x64xf32, #tpu.memory_space<vmem>> -> memref<1x56x64xf32, #tpu.memory_space<vmem>>
        %dma_start3A_460 = tpu.memref_squeeze %dma_start3A_459 : memref<1x56x64xf32, #tpu.memory_space<vmem>> -> memref<56x64xf32, #tpu.memory_space<vmem>>
        %dma_start3A_461 = arith.constant 0 : i32
        %dma_start3A_462 = arith.constant 0 : i32
        %dma_start3A_463 = tpu.memref_slice %arg4[%add3A_289, %dma_start3A_461, %dma_start3A_462] : memref<4096x56x128xf32, #tpu.memory_space<hbm>> -> memref<1x56x64xf32, #tpu.memory_space<hbm>>
        %dma_start3A_464 = tpu.memref_squeeze %dma_start3A_463 : memref<1x56x64xf32, #tpu.memory_space<hbm>> -> memref<56x64xf32, #tpu.memory_space<hbm>>
        %dma_start3A_465 = arith.constant 0 : i32
        %dma_start3A_466 = arith.constant 0 : i32
        %dma_start3A_467 = tpu.memref_slice %arg4[%add3A_289, %dma_start3A_465, %dma_start3A_466] : memref<4096x56x128xf32, #tpu.memory_space<hbm>> -> memref<1x56x64xf32, #tpu.memory_space<hbm>>
        %dma_start3A_468 = tpu.memref_squeeze %dma_start3A_467 : memref<1x56x64xf32, #tpu.memory_space<hbm>> -> memref<56x64xf32, #tpu.memory_space<hbm>>
        %dma_start3A_469 = arith.constant 0 : i32
        %dma_start3A_470 = arith.constant 0 : i32
        %dma_start3A_471 = tpu.memref_slice %arg6[%run_scoped3A_290, %dma_start3A_469, %dma_start3A_470] : memref<16x56x64xf32, #tpu.memory_space<vmem>> -> memref<1x56x64xf32, #tpu.memory_space<vmem>>
        %dma_start3A_472 = tpu.memref_squeeze %dma_start3A_471 : memref<1x56x64xf32, #tpu.memory_space<vmem>> -> memref<56x64xf32, #tpu.memory_space<vmem>>
        tpu.enqueue_dma source(%dma_start3A_472 : memref<56x64xf32, #tpu.memory_space<vmem>>) target(%dma_start3A_468 : memref<56x64xf32, #tpu.memory_space<hbm>>) target_semaphore(%run_scoped3A_456 : memref<!tpu.dma_semaphore, #tpu.memory_space<semaphore_mem>>)
        %dma_wait3A_473 = arith.constant 0 : i32
        %dma_wait3A_474 = arith.constant 0 : i32
        %dma_wait3A_475 = tpu.memref_slice %arg6[%run_scoped3A_290, %dma_wait3A_473, %dma_wait3A_474] : memref<16x56x64xf32, #tpu.memory_space<vmem>> -> memref<1x56x64xf32, #tpu.memory_space<vmem>>
        %dma_wait3A_476 = tpu.memref_squeeze %dma_wait3A_475 : memref<1x56x64xf32, #tpu.memory_space<vmem>> -> memref<56x64xf32, #tpu.memory_space<vmem>>
        %dma_wait3A_477 = arith.constant 0 : i32
        %dma_wait3A_478 = arith.constant 0 : i32
        %dma_wait3A_479 = tpu.memref_slice %arg4[%add3A_289, %dma_wait3A_477, %dma_wait3A_478] : memref<4096x56x128xf32, #tpu.memory_space<hbm>> -> memref<1x56x64xf32, #tpu.memory_space<hbm>>
        %dma_wait3A_480 = tpu.memref_squeeze %dma_wait3A_479 : memref<1x56x64xf32, #tpu.memory_space<hbm>> -> memref<56x64xf32, #tpu.memory_space<hbm>>
        %dma_wait3A_481 = arith.constant 0 : i32
        %dma_wait3A_482 = arith.constant 0 : i32
        %dma_wait3A_483 = tpu.memref_slice %arg4[%add3A_289, %dma_wait3A_481, %dma_wait3A_482] : memref<4096x56x128xf32, #tpu.memory_space<hbm>> -> memref<1x56x64xf32, #tpu.memory_space<hbm>>
        %dma_wait3A_484 = tpu.memref_squeeze %dma_wait3A_483 : memref<1x56x64xf32, #tpu.memory_space<hbm>> -> memref<56x64xf32, #tpu.memory_space<hbm>>
        %dma_wait3A_485 = arith.constant 0 : i32
        %dma_wait3A_486 = arith.constant 0 : i32
        %dma_wait3A_487 = tpu.memref_slice %arg6[%run_scoped3A_290, %dma_wait3A_485, %dma_wait3A_486] : memref<16x56x64xf32, #tpu.memory_space<vmem>> -> memref<1x56x64xf32, #tpu.memory_space<vmem>>
        %dma_wait3A_488 = tpu.memref_squeeze %dma_wait3A_487 : memref<1x56x64xf32, #tpu.memory_space<vmem>> -> memref<56x64xf32, #tpu.memory_space<vmem>>
        tpu.wait_dma2 semaphore(%run_scoped3A_456 : memref<!tpu.dma_semaphore, #tpu.memory_space<semaphore_mem>>) src(%dma_wait3A_488 : memref<56x64xf32, #tpu.memory_space<vmem>>) dst(%dma_wait3A_484 : memref<56x64xf32, #tpu.memory_space<hbm>>)
        tpu.yield
      }) : () -> ()
      %dma_wait3A_291 = arith.constant 5 : i32
      %dma_wait3A_292 = arith.constant 0 : i32
      %dma_wait3A_293 = arith.constant 0 : i32
      %dma_wait3A_294 = tpu.memref_slice %arg6[%dma_wait3A_291, %dma_wait3A_292, %dma_wait3A_293] : memref<16x56x64xf32, #tpu.memory_space<vmem>> -> memref<1x56x64xf32, #tpu.memory_space<vmem>>
      %dma_wait3A_295 = tpu.memref_squeeze %dma_wait3A_294 : memref<1x56x64xf32, #tpu.memory_space<vmem>> -> memref<56x64xf32, #tpu.memory_space<vmem>>
      %dma_wait3A_296 = arith.constant 0 : i32
      %dma_wait3A_297 = tpu.memref_slice %arg5[%add3A_76, %dma_wait3A_296] : memref<128x56xi32, #tpu.memory_space<vmem>> -> memref<1x56xi32, #tpu.memory_space<vmem>>
      %dma_wait3A_298 = tpu.memref_squeeze %dma_wait3A_297 : memref<1x56xi32, #tpu.memory_space<vmem>> -> memref<56xi32, #tpu.memory_space<vmem>>
      %dma_wait3A_299 = arith.constant 0 : i32
      %dma_wait3A_300 = arith.constant 0 : i32
      %dma_wait3A_301 = tpu.memref_slice %arg3[%dma_wait3A_299, %dma_wait3A_300] : memref<1000000x64xf32, #tpu.memory_space<hbm>> -> memref<1000000x64xf32, #tpu.memory_space<hbm>>
      tpu.wait_indirect_dma semaphore(%arg12 : memref<!tpu.dma_semaphore, #tpu.memory_space<semaphore_mem>>) src(%dma_wait3A_301 : memref<1000000x64xf32, #tpu.memory_space<hbm>>) dst(%dma_wait3A_295 : memref<56x64xf32, #tpu.memory_space<vmem>>)
      %add3A_302 = arith.addi %mul3A_2, %mul3A_10 : i32
      %add3A_303 = arith.constant 5 : i32
      %add3A_304 = arith.addi %add3A_302, %add3A_303 : i32
      %run_scoped3A_305 = arith.constant 5 : i32
      "tpu.region"() ({
        %run_scoped3A_456 = tpu.sem_alloc : memref<!tpu.dma_semaphore, #tpu.memory_space<semaphore_mem>>
        %dma_start3A_457 = arith.constant 0 : i32
        %dma_start3A_458 = arith.constant 0 : i32
        %dma_start3A_459 = tpu.memref_slice %arg6[%run_scoped3A_305, %dma_start3A_457, %dma_start3A_458] : memref<16x56x64xf32, #tpu.memory_space<vmem>> -> memref<1x56x64xf32, #tpu.memory_space<vmem>>
        %dma_start3A_460 = tpu.memref_squeeze %dma_start3A_459 : memref<1x56x64xf32, #tpu.memory_space<vmem>> -> memref<56x64xf32, #tpu.memory_space<vmem>>
        %dma_start3A_461 = arith.constant 0 : i32
        %dma_start3A_462 = arith.constant 0 : i32
        %dma_start3A_463 = tpu.memref_slice %arg4[%add3A_304, %dma_start3A_461, %dma_start3A_462] : memref<4096x56x128xf32, #tpu.memory_space<hbm>> -> memref<1x56x64xf32, #tpu.memory_space<hbm>>
        %dma_start3A_464 = tpu.memref_squeeze %dma_start3A_463 : memref<1x56x64xf32, #tpu.memory_space<hbm>> -> memref<56x64xf32, #tpu.memory_space<hbm>>
        %dma_start3A_465 = arith.constant 0 : i32
        %dma_start3A_466 = arith.constant 0 : i32
        %dma_start3A_467 = tpu.memref_slice %arg4[%add3A_304, %dma_start3A_465, %dma_start3A_466] : memref<4096x56x128xf32, #tpu.memory_space<hbm>> -> memref<1x56x64xf32, #tpu.memory_space<hbm>>
        %dma_start3A_468 = tpu.memref_squeeze %dma_start3A_467 : memref<1x56x64xf32, #tpu.memory_space<hbm>> -> memref<56x64xf32, #tpu.memory_space<hbm>>
        %dma_start3A_469 = arith.constant 0 : i32
        %dma_start3A_470 = arith.constant 0 : i32
        %dma_start3A_471 = tpu.memref_slice %arg6[%run_scoped3A_305, %dma_start3A_469, %dma_start3A_470] : memref<16x56x64xf32, #tpu.memory_space<vmem>> -> memref<1x56x64xf32, #tpu.memory_space<vmem>>
        %dma_start3A_472 = tpu.memref_squeeze %dma_start3A_471 : memref<1x56x64xf32, #tpu.memory_space<vmem>> -> memref<56x64xf32, #tpu.memory_space<vmem>>
        tpu.enqueue_dma source(%dma_start3A_472 : memref<56x64xf32, #tpu.memory_space<vmem>>) target(%dma_start3A_468 : memref<56x64xf32, #tpu.memory_space<hbm>>) target_semaphore(%run_scoped3A_456 : memref<!tpu.dma_semaphore, #tpu.memory_space<semaphore_mem>>)
        %dma_wait3A_473 = arith.constant 0 : i32
        %dma_wait3A_474 = arith.constant 0 : i32
        %dma_wait3A_475 = tpu.memref_slice %arg6[%run_scoped3A_305, %dma_wait3A_473, %dma_wait3A_474] : memref<16x56x64xf32, #tpu.memory_space<vmem>> -> memref<1x56x64xf32, #tpu.memory_space<vmem>>
        %dma_wait3A_476 = tpu.memref_squeeze %dma_wait3A_475 : memref<1x56x64xf32, #tpu.memory_space<vmem>> -> memref<56x64xf32, #tpu.memory_space<vmem>>
        %dma_wait3A_477 = arith.constant 0 : i32
        %dma_wait3A_478 = arith.constant 0 : i32
        %dma_wait3A_479 = tpu.memref_slice %arg4[%add3A_304, %dma_wait3A_477, %dma_wait3A_478] : memref<4096x56x128xf32, #tpu.memory_space<hbm>> -> memref<1x56x64xf32, #tpu.memory_space<hbm>>
        %dma_wait3A_480 = tpu.memref_squeeze %dma_wait3A_479 : memref<1x56x64xf32, #tpu.memory_space<hbm>> -> memref<56x64xf32, #tpu.memory_space<hbm>>
        %dma_wait3A_481 = arith.constant 0 : i32
        %dma_wait3A_482 = arith.constant 0 : i32
        %dma_wait3A_483 = tpu.memref_slice %arg4[%add3A_304, %dma_wait3A_481, %dma_wait3A_482] : memref<4096x56x128xf32, #tpu.memory_space<hbm>> -> memref<1x56x64xf32, #tpu.memory_space<hbm>>
        %dma_wait3A_484 = tpu.memref_squeeze %dma_wait3A_483 : memref<1x56x64xf32, #tpu.memory_space<hbm>> -> memref<56x64xf32, #tpu.memory_space<hbm>>
        %dma_wait3A_485 = arith.constant 0 : i32
        %dma_wait3A_486 = arith.constant 0 : i32
        %dma_wait3A_487 = tpu.memref_slice %arg6[%run_scoped3A_305, %dma_wait3A_485, %dma_wait3A_486] : memref<16x56x64xf32, #tpu.memory_space<vmem>> -> memref<1x56x64xf32, #tpu.memory_space<vmem>>
        %dma_wait3A_488 = tpu.memref_squeeze %dma_wait3A_487 : memref<1x56x64xf32, #tpu.memory_space<vmem>> -> memref<56x64xf32, #tpu.memory_space<vmem>>
        tpu.wait_dma2 semaphore(%run_scoped3A_456 : memref<!tpu.dma_semaphore, #tpu.memory_space<semaphore_mem>>) src(%dma_wait3A_488 : memref<56x64xf32, #tpu.memory_space<vmem>>) dst(%dma_wait3A_484 : memref<56x64xf32, #tpu.memory_space<hbm>>)
        tpu.yield
      }) : () -> ()
      %dma_wait3A_306 = arith.constant 6 : i32
      %dma_wait3A_307 = arith.constant 0 : i32
      %dma_wait3A_308 = arith.constant 0 : i32
      %dma_wait3A_309 = tpu.memref_slice %arg6[%dma_wait3A_306, %dma_wait3A_307, %dma_wait3A_308] : memref<16x56x64xf32, #tpu.memory_space<vmem>> -> memref<1x56x64xf32, #tpu.memory_space<vmem>>
      %dma_wait3A_310 = tpu.memref_squeeze %dma_wait3A_309 : memref<1x56x64xf32, #tpu.memory_space<vmem>> -> memref<56x64xf32, #tpu.memory_space<vmem>>
      %dma_wait3A_311 = arith.constant 0 : i32
      %dma_wait3A_312 = tpu.memref_slice %arg5[%add3A_89, %dma_wait3A_311] : memref<128x56xi32, #tpu.memory_space<vmem>> -> memref<1x56xi32, #tpu.memory_space<vmem>>
      %dma_wait3A_313 = tpu.memref_squeeze %dma_wait3A_312 : memref<1x56xi32, #tpu.memory_space<vmem>> -> memref<56xi32, #tpu.memory_space<vmem>>
      %dma_wait3A_314 = arith.constant 0 : i32
      %dma_wait3A_315 = arith.constant 0 : i32
      %dma_wait3A_316 = tpu.memref_slice %arg3[%dma_wait3A_314, %dma_wait3A_315] : memref<1000000x64xf32, #tpu.memory_space<hbm>> -> memref<1000000x64xf32, #tpu.memory_space<hbm>>
      tpu.wait_indirect_dma semaphore(%arg13 : memref<!tpu.dma_semaphore, #tpu.memory_space<semaphore_mem>>) src(%dma_wait3A_316 : memref<1000000x64xf32, #tpu.memory_space<hbm>>) dst(%dma_wait3A_310 : memref<56x64xf32, #tpu.memory_space<vmem>>)
      %add3A_317 = arith.addi %mul3A_2, %mul3A_10 : i32
      %add3A_318 = arith.constant 6 : i32
      %add3A_319 = arith.addi %add3A_317, %add3A_318 : i32
      %run_scoped3A_320 = arith.constant 6 : i32
      "tpu.region"() ({
        %run_scoped3A_456 = tpu.sem_alloc : memref<!tpu.dma_semaphore, #tpu.memory_space<semaphore_mem>>
        %dma_start3A_457 = arith.constant 0 : i32
        %dma_start3A_458 = arith.constant 0 : i32
        %dma_start3A_459 = tpu.memref_slice %arg6[%run_scoped3A_320, %dma_start3A_457, %dma_start3A_458] : memref<16x56x64xf32, #tpu.memory_space<vmem>> -> memref<1x56x64xf32, #tpu.memory_space<vmem>>
        %dma_start3A_460 = tpu.memref_squeeze %dma_start3A_459 : memref<1x56x64xf32, #tpu.memory_space<vmem>> -> memref<56x64xf32, #tpu.memory_space<vmem>>
        %dma_start3A_461 = arith.constant 0 : i32
        %dma_start3A_462 = arith.constant 0 : i32
        %dma_start3A_463 = tpu.memref_slice %arg4[%add3A_319, %dma_start3A_461, %dma_start3A_462] : memref<4096x56x128xf32, #tpu.memory_space<hbm>> -> memref<1x56x64xf32, #tpu.memory_space<hbm>>
        %dma_start3A_464 = tpu.memref_squeeze %dma_start3A_463 : memref<1x56x64xf32, #tpu.memory_space<hbm>> -> memref<56x64xf32, #tpu.memory_space<hbm>>
        %dma_start3A_465 = arith.constant 0 : i32
        %dma_start3A_466 = arith.constant 0 : i32
        %dma_start3A_467 = tpu.memref_slice %arg4[%add3A_319, %dma_start3A_465, %dma_start3A_466] : memref<4096x56x128xf32, #tpu.memory_space<hbm>> -> memref<1x56x64xf32, #tpu.memory_space<hbm>>
        %dma_start3A_468 = tpu.memref_squeeze %dma_start3A_467 : memref<1x56x64xf32, #tpu.memory_space<hbm>> -> memref<56x64xf32, #tpu.memory_space<hbm>>
        %dma_start3A_469 = arith.constant 0 : i32
        %dma_start3A_470 = arith.constant 0 : i32
        %dma_start3A_471 = tpu.memref_slice %arg6[%run_scoped3A_320, %dma_start3A_469, %dma_start3A_470] : memref<16x56x64xf32, #tpu.memory_space<vmem>> -> memref<1x56x64xf32, #tpu.memory_space<vmem>>
        %dma_start3A_472 = tpu.memref_squeeze %dma_start3A_471 : memref<1x56x64xf32, #tpu.memory_space<vmem>> -> memref<56x64xf32, #tpu.memory_space<vmem>>
        tpu.enqueue_dma source(%dma_start3A_472 : memref<56x64xf32, #tpu.memory_space<vmem>>) target(%dma_start3A_468 : memref<56x64xf32, #tpu.memory_space<hbm>>) target_semaphore(%run_scoped3A_456 : memref<!tpu.dma_semaphore, #tpu.memory_space<semaphore_mem>>)
        %dma_wait3A_473 = arith.constant 0 : i32
        %dma_wait3A_474 = arith.constant 0 : i32
        %dma_wait3A_475 = tpu.memref_slice %arg6[%run_scoped3A_320, %dma_wait3A_473, %dma_wait3A_474] : memref<16x56x64xf32, #tpu.memory_space<vmem>> -> memref<1x56x64xf32, #tpu.memory_space<vmem>>
        %dma_wait3A_476 = tpu.memref_squeeze %dma_wait3A_475 : memref<1x56x64xf32, #tpu.memory_space<vmem>> -> memref<56x64xf32, #tpu.memory_space<vmem>>
        %dma_wait3A_477 = arith.constant 0 : i32
        %dma_wait3A_478 = arith.constant 0 : i32
        %dma_wait3A_479 = tpu.memref_slice %arg4[%add3A_319, %dma_wait3A_477, %dma_wait3A_478] : memref<4096x56x128xf32, #tpu.memory_space<hbm>> -> memref<1x56x64xf32, #tpu.memory_space<hbm>>
        %dma_wait3A_480 = tpu.memref_squeeze %dma_wait3A_479 : memref<1x56x64xf32, #tpu.memory_space<hbm>> -> memref<56x64xf32, #tpu.memory_space<hbm>>
        %dma_wait3A_481 = arith.constant 0 : i32
        %dma_wait3A_482 = arith.constant 0 : i32
        %dma_wait3A_483 = tpu.memref_slice %arg4[%add3A_319, %dma_wait3A_481, %dma_wait3A_482] : memref<4096x56x128xf32, #tpu.memory_space<hbm>> -> memref<1x56x64xf32, #tpu.memory_space<hbm>>
        %dma_wait3A_484 = tpu.memref_squeeze %dma_wait3A_483 : memref<1x56x64xf32, #tpu.memory_space<hbm>> -> memref<56x64xf32, #tpu.memory_space<hbm>>
        %dma_wait3A_485 = arith.constant 0 : i32
        %dma_wait3A_486 = arith.constant 0 : i32
        %dma_wait3A_487 = tpu.memref_slice %arg6[%run_scoped3A_320, %dma_wait3A_485, %dma_wait3A_486] : memref<16x56x64xf32, #tpu.memory_space<vmem>> -> memref<1x56x64xf32, #tpu.memory_space<vmem>>
        %dma_wait3A_488 = tpu.memref_squeeze %dma_wait3A_487 : memref<1x56x64xf32, #tpu.memory_space<vmem>> -> memref<56x64xf32, #tpu.memory_space<vmem>>
        tpu.wait_dma2 semaphore(%run_scoped3A_456 : memref<!tpu.dma_semaphore, #tpu.memory_space<semaphore_mem>>) src(%dma_wait3A_488 : memref<56x64xf32, #tpu.memory_space<vmem>>) dst(%dma_wait3A_484 : memref<56x64xf32, #tpu.memory_space<hbm>>)
        tpu.yield
      }) : () -> ()
      %dma_wait3A_321 = arith.constant 7 : i32
      %dma_wait3A_322 = arith.constant 0 : i32
      %dma_wait3A_323 = arith.constant 0 : i32
      %dma_wait3A_324 = tpu.memref_slice %arg6[%dma_wait3A_321, %dma_wait3A_322, %dma_wait3A_323] : memref<16x56x64xf32, #tpu.memory_space<vmem>> -> memref<1x56x64xf32, #tpu.memory_space<vmem>>
      %dma_wait3A_325 = tpu.memref_squeeze %dma_wait3A_324 : memref<1x56x64xf32, #tpu.memory_space<vmem>> -> memref<56x64xf32, #tpu.memory_space<vmem>>
      %dma_wait3A_326 = arith.constant 0 : i32
      %dma_wait3A_327 = tpu.memref_slice %arg5[%add3A_102, %dma_wait3A_326] : memref<128x56xi32, #tpu.memory_space<vmem>> -> memref<1x56xi32, #tpu.memory_space<vmem>>
      %dma_wait3A_328 = tpu.memref_squeeze %dma_wait3A_327 : memref<1x56xi32, #tpu.memory_space<vmem>> -> memref<56xi32, #tpu.memory_space<vmem>>
      %dma_wait3A_329 = arith.constant 0 : i32
      %dma_wait3A_330 = arith.constant 0 : i32
      %dma_wait3A_331 = tpu.memref_slice %arg3[%dma_wait3A_329, %dma_wait3A_330] : memref<1000000x64xf32, #tpu.memory_space<hbm>> -> memref<1000000x64xf32, #tpu.memory_space<hbm>>
      tpu.wait_indirect_dma semaphore(%arg14 : memref<!tpu.dma_semaphore, #tpu.memory_space<semaphore_mem>>) src(%dma_wait3A_331 : memref<1000000x64xf32, #tpu.memory_space<hbm>>) dst(%dma_wait3A_325 : memref<56x64xf32, #tpu.memory_space<vmem>>)
      %add3A_332 = arith.addi %mul3A_2, %mul3A_10 : i32
      %add3A_333 = arith.constant 7 : i32
      %add3A_334 = arith.addi %add3A_332, %add3A_333 : i32
      %run_scoped3A_335 = arith.constant 7 : i32
      "tpu.region"() ({
        %run_scoped3A_456 = tpu.sem_alloc : memref<!tpu.dma_semaphore, #tpu.memory_space<semaphore_mem>>
        %dma_start3A_457 = arith.constant 0 : i32
        %dma_start3A_458 = arith.constant 0 : i32
        %dma_start3A_459 = tpu.memref_slice %arg6[%run_scoped3A_335, %dma_start3A_457, %dma_start3A_458] : memref<16x56x64xf32, #tpu.memory_space<vmem>> -> memref<1x56x64xf32, #tpu.memory_space<vmem>>
        %dma_start3A_460 = tpu.memref_squeeze %dma_start3A_459 : memref<1x56x64xf32, #tpu.memory_space<vmem>> -> memref<56x64xf32, #tpu.memory_space<vmem>>
        %dma_start3A_461 = arith.constant 0 : i32
        %dma_start3A_462 = arith.constant 0 : i32
        %dma_start3A_463 = tpu.memref_slice %arg4[%add3A_334, %dma_start3A_461, %dma_start3A_462] : memref<4096x56x128xf32, #tpu.memory_space<hbm>> -> memref<1x56x64xf32, #tpu.memory_space<hbm>>
        %dma_start3A_464 = tpu.memref_squeeze %dma_start3A_463 : memref<1x56x64xf32, #tpu.memory_space<hbm>> -> memref<56x64xf32, #tpu.memory_space<hbm>>
        %dma_start3A_465 = arith.constant 0 : i32
        %dma_start3A_466 = arith.constant 0 : i32
        %dma_start3A_467 = tpu.memref_slice %arg4[%add3A_334, %dma_start3A_465, %dma_start3A_466] : memref<4096x56x128xf32, #tpu.memory_space<hbm>> -> memref<1x56x64xf32, #tpu.memory_space<hbm>>
        %dma_start3A_468 = tpu.memref_squeeze %dma_start3A_467 : memref<1x56x64xf32, #tpu.memory_space<hbm>> -> memref<56x64xf32, #tpu.memory_space<hbm>>
        %dma_start3A_469 = arith.constant 0 : i32
        %dma_start3A_470 = arith.constant 0 : i32
        %dma_start3A_471 = tpu.memref_slice %arg6[%run_scoped3A_335, %dma_start3A_469, %dma_start3A_470] : memref<16x56x64xf32, #tpu.memory_space<vmem>> -> memref<1x56x64xf32, #tpu.memory_space<vmem>>
        %dma_start3A_472 = tpu.memref_squeeze %dma_start3A_471 : memref<1x56x64xf32, #tpu.memory_space<vmem>> -> memref<56x64xf32, #tpu.memory_space<vmem>>
        tpu.enqueue_dma source(%dma_start3A_472 : memref<56x64xf32, #tpu.memory_space<vmem>>) target(%dma_start3A_468 : memref<56x64xf32, #tpu.memory_space<hbm>>) target_semaphore(%run_scoped3A_456 : memref<!tpu.dma_semaphore, #tpu.memory_space<semaphore_mem>>)
        %dma_wait3A_473 = arith.constant 0 : i32
        %dma_wait3A_474 = arith.constant 0 : i32
        %dma_wait3A_475 = tpu.memref_slice %arg6[%run_scoped3A_335, %dma_wait3A_473, %dma_wait3A_474] : memref<16x56x64xf32, #tpu.memory_space<vmem>> -> memref<1x56x64xf32, #tpu.memory_space<vmem>>
        %dma_wait3A_476 = tpu.memref_squeeze %dma_wait3A_475 : memref<1x56x64xf32, #tpu.memory_space<vmem>> -> memref<56x64xf32, #tpu.memory_space<vmem>>
        %dma_wait3A_477 = arith.constant 0 : i32
        %dma_wait3A_478 = arith.constant 0 : i32
        %dma_wait3A_479 = tpu.memref_slice %arg4[%add3A_334, %dma_wait3A_477, %dma_wait3A_478] : memref<4096x56x128xf32, #tpu.memory_space<hbm>> -> memref<1x56x64xf32, #tpu.memory_space<hbm>>
        %dma_wait3A_480 = tpu.memref_squeeze %dma_wait3A_479 : memref<1x56x64xf32, #tpu.memory_space<hbm>> -> memref<56x64xf32, #tpu.memory_space<hbm>>
        %dma_wait3A_481 = arith.constant 0 : i32
        %dma_wait3A_482 = arith.constant 0 : i32
        %dma_wait3A_483 = tpu.memref_slice %arg4[%add3A_334, %dma_wait3A_481, %dma_wait3A_482] : memref<4096x56x128xf32, #tpu.memory_space<hbm>> -> memref<1x56x64xf32, #tpu.memory_space<hbm>>
        %dma_wait3A_484 = tpu.memref_squeeze %dma_wait3A_483 : memref<1x56x64xf32, #tpu.memory_space<hbm>> -> memref<56x64xf32, #tpu.memory_space<hbm>>
        %dma_wait3A_485 = arith.constant 0 : i32
        %dma_wait3A_486 = arith.constant 0 : i32
        %dma_wait3A_487 = tpu.memref_slice %arg6[%run_scoped3A_335, %dma_wait3A_485, %dma_wait3A_486] : memref<16x56x64xf32, #tpu.memory_space<vmem>> -> memref<1x56x64xf32, #tpu.memory_space<vmem>>
        %dma_wait3A_488 = tpu.memref_squeeze %dma_wait3A_487 : memref<1x56x64xf32, #tpu.memory_space<vmem>> -> memref<56x64xf32, #tpu.memory_space<vmem>>
        tpu.wait_dma2 semaphore(%run_scoped3A_456 : memref<!tpu.dma_semaphore, #tpu.memory_space<semaphore_mem>>) src(%dma_wait3A_488 : memref<56x64xf32, #tpu.memory_space<vmem>>) dst(%dma_wait3A_484 : memref<56x64xf32, #tpu.memory_space<hbm>>)
        tpu.yield
      }) : () -> ()
      %dma_wait3A_336 = arith.constant 8 : i32
      %dma_wait3A_337 = arith.constant 0 : i32
      %dma_wait3A_338 = arith.constant 0 : i32
      %dma_wait3A_339 = tpu.memref_slice %arg6[%dma_wait3A_336, %dma_wait3A_337, %dma_wait3A_338] : memref<16x56x64xf32, #tpu.memory_space<vmem>> -> memref<1x56x64xf32, #tpu.memory_space<vmem>>
      %dma_wait3A_340 = tpu.memref_squeeze %dma_wait3A_339 : memref<1x56x64xf32, #tpu.memory_space<vmem>> -> memref<56x64xf32, #tpu.memory_space<vmem>>
      %dma_wait3A_341 = arith.constant 0 : i32
      %dma_wait3A_342 = tpu.memref_slice %arg5[%add3A_115, %dma_wait3A_341] : memref<128x56xi32, #tpu.memory_space<vmem>> -> memref<1x56xi32, #tpu.memory_space<vmem>>
      %dma_wait3A_343 = tpu.memref_squeeze %dma_wait3A_342 : memref<1x56xi32, #tpu.memory_space<vmem>> -> memref<56xi32, #tpu.memory_space<vmem>>
      %dma_wait3A_344 = arith.constant 0 : i32
      %dma_wait3A_345 = arith.constant 0 : i32
      %dma_wait3A_346 = tpu.memref_slice %arg3[%dma_wait3A_344, %dma_wait3A_345] : memref<1000000x64xf32, #tpu.memory_space<hbm>> -> memref<1000000x64xf32, #tpu.memory_space<hbm>>
      tpu.wait_indirect_dma semaphore(%arg15 : memref<!tpu.dma_semaphore, #tpu.memory_space<semaphore_mem>>) src(%dma_wait3A_346 : memref<1000000x64xf32, #tpu.memory_space<hbm>>) dst(%dma_wait3A_340 : memref<56x64xf32, #tpu.memory_space<vmem>>)
      %add3A_347 = arith.addi %mul3A_2, %mul3A_10 : i32
      %add3A_348 = arith.constant 8 : i32
      %add3A_349 = arith.addi %add3A_347, %add3A_348 : i32
      %run_scoped3A_350 = arith.constant 8 : i32
      "tpu.region"() ({
        %run_scoped3A_456 = tpu.sem_alloc : memref<!tpu.dma_semaphore, #tpu.memory_space<semaphore_mem>>
        %dma_start3A_457 = arith.constant 0 : i32
        %dma_start3A_458 = arith.constant 0 : i32
        %dma_start3A_459 = tpu.memref_slice %arg6[%run_scoped3A_350, %dma_start3A_457, %dma_start3A_458] : memref<16x56x64xf32, #tpu.memory_space<vmem>> -> memref<1x56x64xf32, #tpu.memory_space<vmem>>
        %dma_start3A_460 = tpu.memref_squeeze %dma_start3A_459 : memref<1x56x64xf32, #tpu.memory_space<vmem>> -> memref<56x64xf32, #tpu.memory_space<vmem>>
        %dma_start3A_461 = arith.constant 0 : i32
        %dma_start3A_462 = arith.constant 0 : i32
        %dma_start3A_463 = tpu.memref_slice %arg4[%add3A_349, %dma_start3A_461, %dma_start3A_462] : memref<4096x56x128xf32, #tpu.memory_space<hbm>> -> memref<1x56x64xf32, #tpu.memory_space<hbm>>
        %dma_start3A_464 = tpu.memref_squeeze %dma_start3A_463 : memref<1x56x64xf32, #tpu.memory_space<hbm>> -> memref<56x64xf32, #tpu.memory_space<hbm>>
        %dma_start3A_465 = arith.constant 0 : i32
        %dma_start3A_466 = arith.constant 0 : i32
        %dma_start3A_467 = tpu.memref_slice %arg4[%add3A_349, %dma_start3A_465, %dma_start3A_466] : memref<4096x56x128xf32, #tpu.memory_space<hbm>> -> memref<1x56x64xf32, #tpu.memory_space<hbm>>
        %dma_start3A_468 = tpu.memref_squeeze %dma_start3A_467 : memref<1x56x64xf32, #tpu.memory_space<hbm>> -> memref<56x64xf32, #tpu.memory_space<hbm>>
        %dma_start3A_469 = arith.constant 0 : i32
        %dma_start3A_470 = arith.constant 0 : i32
        %dma_start3A_471 = tpu.memref_slice %arg6[%run_scoped3A_350, %dma_start3A_469, %dma_start3A_470] : memref<16x56x64xf32, #tpu.memory_space<vmem>> -> memref<1x56x64xf32, #tpu.memory_space<vmem>>
        %dma_start3A_472 = tpu.memref_squeeze %dma_start3A_471 : memref<1x56x64xf32, #tpu.memory_space<vmem>> -> memref<56x64xf32, #tpu.memory_space<vmem>>
        tpu.enqueue_dma source(%dma_start3A_472 : memref<56x64xf32, #tpu.memory_space<vmem>>) target(%dma_start3A_468 : memref<56x64xf32, #tpu.memory_space<hbm>>) target_semaphore(%run_scoped3A_456 : memref<!tpu.dma_semaphore, #tpu.memory_space<semaphore_mem>>)
        %dma_wait3A_473 = arith.constant 0 : i32
        %dma_wait3A_474 = arith.constant 0 : i32
        %dma_wait3A_475 = tpu.memref_slice %arg6[%run_scoped3A_350, %dma_wait3A_473, %dma_wait3A_474] : memref<16x56x64xf32, #tpu.memory_space<vmem>> -> memref<1x56x64xf32, #tpu.memory_space<vmem>>
        %dma_wait3A_476 = tpu.memref_squeeze %dma_wait3A_475 : memref<1x56x64xf32, #tpu.memory_space<vmem>> -> memref<56x64xf32, #tpu.memory_space<vmem>>
        %dma_wait3A_477 = arith.constant 0 : i32
        %dma_wait3A_478 = arith.constant 0 : i32
        %dma_wait3A_479 = tpu.memref_slice %arg4[%add3A_349, %dma_wait3A_477, %dma_wait3A_478] : memref<4096x56x128xf32, #tpu.memory_space<hbm>> -> memref<1x56x64xf32, #tpu.memory_space<hbm>>
        %dma_wait3A_480 = tpu.memref_squeeze %dma_wait3A_479 : memref<1x56x64xf32, #tpu.memory_space<hbm>> -> memref<56x64xf32, #tpu.memory_space<hbm>>
        %dma_wait3A_481 = arith.constant 0 : i32
        %dma_wait3A_482 = arith.constant 0 : i32
        %dma_wait3A_483 = tpu.memref_slice %arg4[%add3A_349, %dma_wait3A_481, %dma_wait3A_482] : memref<4096x56x128xf32, #tpu.memory_space<hbm>> -> memref<1x56x64xf32, #tpu.memory_space<hbm>>
        %dma_wait3A_484 = tpu.memref_squeeze %dma_wait3A_483 : memref<1x56x64xf32, #tpu.memory_space<hbm>> -> memref<56x64xf32, #tpu.memory_space<hbm>>
        %dma_wait3A_485 = arith.constant 0 : i32
        %dma_wait3A_486 = arith.constant 0 : i32
        %dma_wait3A_487 = tpu.memref_slice %arg6[%run_scoped3A_350, %dma_wait3A_485, %dma_wait3A_486] : memref<16x56x64xf32, #tpu.memory_space<vmem>> -> memref<1x56x64xf32, #tpu.memory_space<vmem>>
        %dma_wait3A_488 = tpu.memref_squeeze %dma_wait3A_487 : memref<1x56x64xf32, #tpu.memory_space<vmem>> -> memref<56x64xf32, #tpu.memory_space<vmem>>
        tpu.wait_dma2 semaphore(%run_scoped3A_456 : memref<!tpu.dma_semaphore, #tpu.memory_space<semaphore_mem>>) src(%dma_wait3A_488 : memref<56x64xf32, #tpu.memory_space<vmem>>) dst(%dma_wait3A_484 : memref<56x64xf32, #tpu.memory_space<hbm>>)
        tpu.yield
      }) : () -> ()
      %dma_wait3A_351 = arith.constant 9 : i32
      %dma_wait3A_352 = arith.constant 0 : i32
      %dma_wait3A_353 = arith.constant 0 : i32
      %dma_wait3A_354 = tpu.memref_slice %arg6[%dma_wait3A_351, %dma_wait3A_352, %dma_wait3A_353] : memref<16x56x64xf32, #tpu.memory_space<vmem>> -> memref<1x56x64xf32, #tpu.memory_space<vmem>>
      %dma_wait3A_355 = tpu.memref_squeeze %dma_wait3A_354 : memref<1x56x64xf32, #tpu.memory_space<vmem>> -> memref<56x64xf32, #tpu.memory_space<vmem>>
      %dma_wait3A_356 = arith.constant 0 : i32
      %dma_wait3A_357 = tpu.memref_slice %arg5[%add3A_128, %dma_wait3A_356] : memref<128x56xi32, #tpu.memory_space<vmem>> -> memref<1x56xi32, #tpu.memory_space<vmem>>
      %dma_wait3A_358 = tpu.memref_squeeze %dma_wait3A_357 : memref<1x56xi32, #tpu.memory_space<vmem>> -> memref<56xi32, #tpu.memory_space<vmem>>
      %dma_wait3A_359 = arith.constant 0 : i32
      %dma_wait3A_360 = arith.constant 0 : i32
      %dma_wait3A_361 = tpu.memref_slice %arg3[%dma_wait3A_359, %dma_wait3A_360] : memref<1000000x64xf32, #tpu.memory_space<hbm>> -> memref<1000000x64xf32, #tpu.memory_space<hbm>>
      tpu.wait_indirect_dma semaphore(%arg16 : memref<!tpu.dma_semaphore, #tpu.memory_space<semaphore_mem>>) src(%dma_wait3A_361 : memref<1000000x64xf32, #tpu.memory_space<hbm>>) dst(%dma_wait3A_355 : memref<56x64xf32, #tpu.memory_space<vmem>>)
      %add3A_362 = arith.addi %mul3A_2, %mul3A_10 : i32
      %add3A_363 = arith.constant 9 : i32
      %add3A_364 = arith.addi %add3A_362, %add3A_363 : i32
      %run_scoped3A_365 = arith.constant 9 : i32
      "tpu.region"() ({
        %run_scoped3A_456 = tpu.sem_alloc : memref<!tpu.dma_semaphore, #tpu.memory_space<semaphore_mem>>
        %dma_start3A_457 = arith.constant 0 : i32
        %dma_start3A_458 = arith.constant 0 : i32
        %dma_start3A_459 = tpu.memref_slice %arg6[%run_scoped3A_365, %dma_start3A_457, %dma_start3A_458] : memref<16x56x64xf32, #tpu.memory_space<vmem>> -> memref<1x56x64xf32, #tpu.memory_space<vmem>>
        %dma_start3A_460 = tpu.memref_squeeze %dma_start3A_459 : memref<1x56x64xf32, #tpu.memory_space<vmem>> -> memref<56x64xf32, #tpu.memory_space<vmem>>
        %dma_start3A_461 = arith.constant 0 : i32
        %dma_start3A_462 = arith.constant 0 : i32
        %dma_start3A_463 = tpu.memref_slice %arg4[%add3A_364, %dma_start3A_461, %dma_start3A_462] : memref<4096x56x128xf32, #tpu.memory_space<hbm>> -> memref<1x56x64xf32, #tpu.memory_space<hbm>>
        %dma_start3A_464 = tpu.memref_squeeze %dma_start3A_463 : memref<1x56x64xf32, #tpu.memory_space<hbm>> -> memref<56x64xf32, #tpu.memory_space<hbm>>
        %dma_start3A_465 = arith.constant 0 : i32
        %dma_start3A_466 = arith.constant 0 : i32
        %dma_start3A_467 = tpu.memref_slice %arg4[%add3A_364, %dma_start3A_465, %dma_start3A_466] : memref<4096x56x128xf32, #tpu.memory_space<hbm>> -> memref<1x56x64xf32, #tpu.memory_space<hbm>>
        %dma_start3A_468 = tpu.memref_squeeze %dma_start3A_467 : memref<1x56x64xf32, #tpu.memory_space<hbm>> -> memref<56x64xf32, #tpu.memory_space<hbm>>
        %dma_start3A_469 = arith.constant 0 : i32
        %dma_start3A_470 = arith.constant 0 : i32
        %dma_start3A_471 = tpu.memref_slice %arg6[%run_scoped3A_365, %dma_start3A_469, %dma_start3A_470] : memref<16x56x64xf32, #tpu.memory_space<vmem>> -> memref<1x56x64xf32, #tpu.memory_space<vmem>>
        %dma_start3A_472 = tpu.memref_squeeze %dma_start3A_471 : memref<1x56x64xf32, #tpu.memory_space<vmem>> -> memref<56x64xf32, #tpu.memory_space<vmem>>
        tpu.enqueue_dma source(%dma_start3A_472 : memref<56x64xf32, #tpu.memory_space<vmem>>) target(%dma_start3A_468 : memref<56x64xf32, #tpu.memory_space<hbm>>) target_semaphore(%run_scoped3A_456 : memref<!tpu.dma_semaphore, #tpu.memory_space<semaphore_mem>>)
        %dma_wait3A_473 = arith.constant 0 : i32
        %dma_wait3A_474 = arith.constant 0 : i32
        %dma_wait3A_475 = tpu.memref_slice %arg6[%run_scoped3A_365, %dma_wait3A_473, %dma_wait3A_474] : memref<16x56x64xf32, #tpu.memory_space<vmem>> -> memref<1x56x64xf32, #tpu.memory_space<vmem>>
        %dma_wait3A_476 = tpu.memref_squeeze %dma_wait3A_475 : memref<1x56x64xf32, #tpu.memory_space<vmem>> -> memref<56x64xf32, #tpu.memory_space<vmem>>
        %dma_wait3A_477 = arith.constant 0 : i32
        %dma_wait3A_478 = arith.constant 0 : i32
        %dma_wait3A_479 = tpu.memref_slice %arg4[%add3A_364, %dma_wait3A_477, %dma_wait3A_478] : memref<4096x56x128xf32, #tpu.memory_space<hbm>> -> memref<1x56x64xf32, #tpu.memory_space<hbm>>
        %dma_wait3A_480 = tpu.memref_squeeze %dma_wait3A_479 : memref<1x56x64xf32, #tpu.memory_space<hbm>> -> memref<56x64xf32, #tpu.memory_space<hbm>>
        %dma_wait3A_481 = arith.constant 0 : i32
        %dma_wait3A_482 = arith.constant 0 : i32
        %dma_wait3A_483 = tpu.memref_slice %arg4[%add3A_364, %dma_wait3A_481, %dma_wait3A_482] : memref<4096x56x128xf32, #tpu.memory_space<hbm>> -> memref<1x56x64xf32, #tpu.memory_space<hbm>>
        %dma_wait3A_484 = tpu.memref_squeeze %dma_wait3A_483 : memref<1x56x64xf32, #tpu.memory_space<hbm>> -> memref<56x64xf32, #tpu.memory_space<hbm>>
        %dma_wait3A_485 = arith.constant 0 : i32
        %dma_wait3A_486 = arith.constant 0 : i32
        %dma_wait3A_487 = tpu.memref_slice %arg6[%run_scoped3A_365, %dma_wait3A_485, %dma_wait3A_486] : memref<16x56x64xf32, #tpu.memory_space<vmem>> -> memref<1x56x64xf32, #tpu.memory_space<vmem>>
        %dma_wait3A_488 = tpu.memref_squeeze %dma_wait3A_487 : memref<1x56x64xf32, #tpu.memory_space<vmem>> -> memref<56x64xf32, #tpu.memory_space<vmem>>
        tpu.wait_dma2 semaphore(%run_scoped3A_456 : memref<!tpu.dma_semaphore, #tpu.memory_space<semaphore_mem>>) src(%dma_wait3A_488 : memref<56x64xf32, #tpu.memory_space<vmem>>) dst(%dma_wait3A_484 : memref<56x64xf32, #tpu.memory_space<hbm>>)
        tpu.yield
      }) : () -> ()
      %dma_wait3A_366 = arith.constant 10 : i32
      %dma_wait3A_367 = arith.constant 0 : i32
      %dma_wait3A_368 = arith.constant 0 : i32
      %dma_wait3A_369 = tpu.memref_slice %arg6[%dma_wait3A_366, %dma_wait3A_367, %dma_wait3A_368] : memref<16x56x64xf32, #tpu.memory_space<vmem>> -> memref<1x56x64xf32, #tpu.memory_space<vmem>>
      %dma_wait3A_370 = tpu.memref_squeeze %dma_wait3A_369 : memref<1x56x64xf32, #tpu.memory_space<vmem>> -> memref<56x64xf32, #tpu.memory_space<vmem>>
      %dma_wait3A_371 = arith.constant 0 : i32
      %dma_wait3A_372 = tpu.memref_slice %arg5[%add3A_141, %dma_wait3A_371] : memref<128x56xi32, #tpu.memory_space<vmem>> -> memref<1x56xi32, #tpu.memory_space<vmem>>
      %dma_wait3A_373 = tpu.memref_squeeze %dma_wait3A_372 : memref<1x56xi32, #tpu.memory_space<vmem>> -> memref<56xi32, #tpu.memory_space<vmem>>
      %dma_wait3A_374 = arith.constant 0 : i32
      %dma_wait3A_375 = arith.constant 0 : i32
      %dma_wait3A_376 = tpu.memref_slice %arg3[%dma_wait3A_374, %dma_wait3A_375] : memref<1000000x64xf32, #tpu.memory_space<hbm>> -> memref<1000000x64xf32, #tpu.memory_space<hbm>>
      tpu.wait_indirect_dma semaphore(%arg17 : memref<!tpu.dma_semaphore, #tpu.memory_space<semaphore_mem>>) src(%dma_wait3A_376 : memref<1000000x64xf32, #tpu.memory_space<hbm>>) dst(%dma_wait3A_370 : memref<56x64xf32, #tpu.memory_space<vmem>>)
      %add3A_377 = arith.addi %mul3A_2, %mul3A_10 : i32
      %add3A_378 = arith.constant 10 : i32
      %add3A_379 = arith.addi %add3A_377, %add3A_378 : i32
      %run_scoped3A_380 = arith.constant 10 : i32
      "tpu.region"() ({
        %run_scoped3A_456 = tpu.sem_alloc : memref<!tpu.dma_semaphore, #tpu.memory_space<semaphore_mem>>
        %dma_start3A_457 = arith.constant 0 : i32
        %dma_start3A_458 = arith.constant 0 : i32
        %dma_start3A_459 = tpu.memref_slice %arg6[%run_scoped3A_380, %dma_start3A_457, %dma_start3A_458] : memref<16x56x64xf32, #tpu.memory_space<vmem>> -> memref<1x56x64xf32, #tpu.memory_space<vmem>>
        %dma_start3A_460 = tpu.memref_squeeze %dma_start3A_459 : memref<1x56x64xf32, #tpu.memory_space<vmem>> -> memref<56x64xf32, #tpu.memory_space<vmem>>
        %dma_start3A_461 = arith.constant 0 : i32
        %dma_start3A_462 = arith.constant 0 : i32
        %dma_start3A_463 = tpu.memref_slice %arg4[%add3A_379, %dma_start3A_461, %dma_start3A_462] : memref<4096x56x128xf32, #tpu.memory_space<hbm>> -> memref<1x56x64xf32, #tpu.memory_space<hbm>>
        %dma_start3A_464 = tpu.memref_squeeze %dma_start3A_463 : memref<1x56x64xf32, #tpu.memory_space<hbm>> -> memref<56x64xf32, #tpu.memory_space<hbm>>
        %dma_start3A_465 = arith.constant 0 : i32
        %dma_start3A_466 = arith.constant 0 : i32
        %dma_start3A_467 = tpu.memref_slice %arg4[%add3A_379, %dma_start3A_465, %dma_start3A_466] : memref<4096x56x128xf32, #tpu.memory_space<hbm>> -> memref<1x56x64xf32, #tpu.memory_space<hbm>>
        %dma_start3A_468 = tpu.memref_squeeze %dma_start3A_467 : memref<1x56x64xf32, #tpu.memory_space<hbm>> -> memref<56x64xf32, #tpu.memory_space<hbm>>
        %dma_start3A_469 = arith.constant 0 : i32
        %dma_start3A_470 = arith.constant 0 : i32
        %dma_start3A_471 = tpu.memref_slice %arg6[%run_scoped3A_380, %dma_start3A_469, %dma_start3A_470] : memref<16x56x64xf32, #tpu.memory_space<vmem>> -> memref<1x56x64xf32, #tpu.memory_space<vmem>>
        %dma_start3A_472 = tpu.memref_squeeze %dma_start3A_471 : memref<1x56x64xf32, #tpu.memory_space<vmem>> -> memref<56x64xf32, #tpu.memory_space<vmem>>
        tpu.enqueue_dma source(%dma_start3A_472 : memref<56x64xf32, #tpu.memory_space<vmem>>) target(%dma_start3A_468 : memref<56x64xf32, #tpu.memory_space<hbm>>) target_semaphore(%run_scoped3A_456 : memref<!tpu.dma_semaphore, #tpu.memory_space<semaphore_mem>>)
        %dma_wait3A_473 = arith.constant 0 : i32
        %dma_wait3A_474 = arith.constant 0 : i32
        %dma_wait3A_475 = tpu.memref_slice %arg6[%run_scoped3A_380, %dma_wait3A_473, %dma_wait3A_474] : memref<16x56x64xf32, #tpu.memory_space<vmem>> -> memref<1x56x64xf32, #tpu.memory_space<vmem>>
        %dma_wait3A_476 = tpu.memref_squeeze %dma_wait3A_475 : memref<1x56x64xf32, #tpu.memory_space<vmem>> -> memref<56x64xf32, #tpu.memory_space<vmem>>
        %dma_wait3A_477 = arith.constant 0 : i32
        %dma_wait3A_478 = arith.constant 0 : i32
        %dma_wait3A_479 = tpu.memref_slice %arg4[%add3A_379, %dma_wait3A_477, %dma_wait3A_478] : memref<4096x56x128xf32, #tpu.memory_space<hbm>> -> memref<1x56x64xf32, #tpu.memory_space<hbm>>
        %dma_wait3A_480 = tpu.memref_squeeze %dma_wait3A_479 : memref<1x56x64xf32, #tpu.memory_space<hbm>> -> memref<56x64xf32, #tpu.memory_space<hbm>>
        %dma_wait3A_481 = arith.constant 0 : i32
        %dma_wait3A_482 = arith.constant 0 : i32
        %dma_wait3A_483 = tpu.memref_slice %arg4[%add3A_379, %dma_wait3A_481, %dma_wait3A_482] : memref<4096x56x128xf32, #tpu.memory_space<hbm>> -> memref<1x56x64xf32, #tpu.memory_space<hbm>>
        %dma_wait3A_484 = tpu.memref_squeeze %dma_wait3A_483 : memref<1x56x64xf32, #tpu.memory_space<hbm>> -> memref<56x64xf32, #tpu.memory_space<hbm>>
        %dma_wait3A_485 = arith.constant 0 : i32
        %dma_wait3A_486 = arith.constant 0 : i32
        %dma_wait3A_487 = tpu.memref_slice %arg6[%run_scoped3A_380, %dma_wait3A_485, %dma_wait3A_486] : memref<16x56x64xf32, #tpu.memory_space<vmem>> -> memref<1x56x64xf32, #tpu.memory_space<vmem>>
        %dma_wait3A_488 = tpu.memref_squeeze %dma_wait3A_487 : memref<1x56x64xf32, #tpu.memory_space<vmem>> -> memref<56x64xf32, #tpu.memory_space<vmem>>
        tpu.wait_dma2 semaphore(%run_scoped3A_456 : memref<!tpu.dma_semaphore, #tpu.memory_space<semaphore_mem>>) src(%dma_wait3A_488 : memref<56x64xf32, #tpu.memory_space<vmem>>) dst(%dma_wait3A_484 : memref<56x64xf32, #tpu.memory_space<hbm>>)
        tpu.yield
      }) : () -> ()
      %dma_wait3A_381 = arith.constant 11 : i32
      %dma_wait3A_382 = arith.constant 0 : i32
      %dma_wait3A_383 = arith.constant 0 : i32
      %dma_wait3A_384 = tpu.memref_slice %arg6[%dma_wait3A_381, %dma_wait3A_382, %dma_wait3A_383] : memref<16x56x64xf32, #tpu.memory_space<vmem>> -> memref<1x56x64xf32, #tpu.memory_space<vmem>>
      %dma_wait3A_385 = tpu.memref_squeeze %dma_wait3A_384 : memref<1x56x64xf32, #tpu.memory_space<vmem>> -> memref<56x64xf32, #tpu.memory_space<vmem>>
      %dma_wait3A_386 = arith.constant 0 : i32
      %dma_wait3A_387 = tpu.memref_slice %arg5[%add3A_154, %dma_wait3A_386] : memref<128x56xi32, #tpu.memory_space<vmem>> -> memref<1x56xi32, #tpu.memory_space<vmem>>
      %dma_wait3A_388 = tpu.memref_squeeze %dma_wait3A_387 : memref<1x56xi32, #tpu.memory_space<vmem>> -> memref<56xi32, #tpu.memory_space<vmem>>
      %dma_wait3A_389 = arith.constant 0 : i32
      %dma_wait3A_390 = arith.constant 0 : i32
      %dma_wait3A_391 = tpu.memref_slice %arg3[%dma_wait3A_389, %dma_wait3A_390] : memref<1000000x64xf32, #tpu.memory_space<hbm>> -> memref<1000000x64xf32, #tpu.memory_space<hbm>>
      tpu.wait_indirect_dma semaphore(%arg18 : memref<!tpu.dma_semaphore, #tpu.memory_space<semaphore_mem>>) src(%dma_wait3A_391 : memref<1000000x64xf32, #tpu.memory_space<hbm>>) dst(%dma_wait3A_385 : memref<56x64xf32, #tpu.memory_space<vmem>>)
      %add3A_392 = arith.addi %mul3A_2, %mul3A_10 : i32
      %add3A_393 = arith.constant 11 : i32
      %add3A_394 = arith.addi %add3A_392, %add3A_393 : i32
      %run_scoped3A_395 = arith.constant 11 : i32
      "tpu.region"() ({
        %run_scoped3A_456 = tpu.sem_alloc : memref<!tpu.dma_semaphore, #tpu.memory_space<semaphore_mem>>
        %dma_start3A_457 = arith.constant 0 : i32
        %dma_start3A_458 = arith.constant 0 : i32
        %dma_start3A_459 = tpu.memref_slice %arg6[%run_scoped3A_395, %dma_start3A_457, %dma_start3A_458] : memref<16x56x64xf32, #tpu.memory_space<vmem>> -> memref<1x56x64xf32, #tpu.memory_space<vmem>>
        %dma_start3A_460 = tpu.memref_squeeze %dma_start3A_459 : memref<1x56x64xf32, #tpu.memory_space<vmem>> -> memref<56x64xf32, #tpu.memory_space<vmem>>
        %dma_start3A_461 = arith.constant 0 : i32
        %dma_start3A_462 = arith.constant 0 : i32
        %dma_start3A_463 = tpu.memref_slice %arg4[%add3A_394, %dma_start3A_461, %dma_start3A_462] : memref<4096x56x128xf32, #tpu.memory_space<hbm>> -> memref<1x56x64xf32, #tpu.memory_space<hbm>>
        %dma_start3A_464 = tpu.memref_squeeze %dma_start3A_463 : memref<1x56x64xf32, #tpu.memory_space<hbm>> -> memref<56x64xf32, #tpu.memory_space<hbm>>
        %dma_start3A_465 = arith.constant 0 : i32
        %dma_start3A_466 = arith.constant 0 : i32
        %dma_start3A_467 = tpu.memref_slice %arg4[%add3A_394, %dma_start3A_465, %dma_start3A_466] : memref<4096x56x128xf32, #tpu.memory_space<hbm>> -> memref<1x56x64xf32, #tpu.memory_space<hbm>>
        %dma_start3A_468 = tpu.memref_squeeze %dma_start3A_467 : memref<1x56x64xf32, #tpu.memory_space<hbm>> -> memref<56x64xf32, #tpu.memory_space<hbm>>
        %dma_start3A_469 = arith.constant 0 : i32
        %dma_start3A_470 = arith.constant 0 : i32
        %dma_start3A_471 = tpu.memref_slice %arg6[%run_scoped3A_395, %dma_start3A_469, %dma_start3A_470] : memref<16x56x64xf32, #tpu.memory_space<vmem>> -> memref<1x56x64xf32, #tpu.memory_space<vmem>>
        %dma_start3A_472 = tpu.memref_squeeze %dma_start3A_471 : memref<1x56x64xf32, #tpu.memory_space<vmem>> -> memref<56x64xf32, #tpu.memory_space<vmem>>
        tpu.enqueue_dma source(%dma_start3A_472 : memref<56x64xf32, #tpu.memory_space<vmem>>) target(%dma_start3A_468 : memref<56x64xf32, #tpu.memory_space<hbm>>) target_semaphore(%run_scoped3A_456 : memref<!tpu.dma_semaphore, #tpu.memory_space<semaphore_mem>>)
        %dma_wait3A_473 = arith.constant 0 : i32
        %dma_wait3A_474 = arith.constant 0 : i32
        %dma_wait3A_475 = tpu.memref_slice %arg6[%run_scoped3A_395, %dma_wait3A_473, %dma_wait3A_474] : memref<16x56x64xf32, #tpu.memory_space<vmem>> -> memref<1x56x64xf32, #tpu.memory_space<vmem>>
        %dma_wait3A_476 = tpu.memref_squeeze %dma_wait3A_475 : memref<1x56x64xf32, #tpu.memory_space<vmem>> -> memref<56x64xf32, #tpu.memory_space<vmem>>
        %dma_wait3A_477 = arith.constant 0 : i32
        %dma_wait3A_478 = arith.constant 0 : i32
        %dma_wait3A_479 = tpu.memref_slice %arg4[%add3A_394, %dma_wait3A_477, %dma_wait3A_478] : memref<4096x56x128xf32, #tpu.memory_space<hbm>> -> memref<1x56x64xf32, #tpu.memory_space<hbm>>
        %dma_wait3A_480 = tpu.memref_squeeze %dma_wait3A_479 : memref<1x56x64xf32, #tpu.memory_space<hbm>> -> memref<56x64xf32, #tpu.memory_space<hbm>>
        %dma_wait3A_481 = arith.constant 0 : i32
        %dma_wait3A_482 = arith.constant 0 : i32
        %dma_wait3A_483 = tpu.memref_slice %arg4[%add3A_394, %dma_wait3A_481, %dma_wait3A_482] : memref<4096x56x128xf32, #tpu.memory_space<hbm>> -> memref<1x56x64xf32, #tpu.memory_space<hbm>>
        %dma_wait3A_484 = tpu.memref_squeeze %dma_wait3A_483 : memref<1x56x64xf32, #tpu.memory_space<hbm>> -> memref<56x64xf32, #tpu.memory_space<hbm>>
        %dma_wait3A_485 = arith.constant 0 : i32
        %dma_wait3A_486 = arith.constant 0 : i32
        %dma_wait3A_487 = tpu.memref_slice %arg6[%run_scoped3A_395, %dma_wait3A_485, %dma_wait3A_486] : memref<16x56x64xf32, #tpu.memory_space<vmem>> -> memref<1x56x64xf32, #tpu.memory_space<vmem>>
        %dma_wait3A_488 = tpu.memref_squeeze %dma_wait3A_487 : memref<1x56x64xf32, #tpu.memory_space<vmem>> -> memref<56x64xf32, #tpu.memory_space<vmem>>
        tpu.wait_dma2 semaphore(%run_scoped3A_456 : memref<!tpu.dma_semaphore, #tpu.memory_space<semaphore_mem>>) src(%dma_wait3A_488 : memref<56x64xf32, #tpu.memory_space<vmem>>) dst(%dma_wait3A_484 : memref<56x64xf32, #tpu.memory_space<hbm>>)
        tpu.yield
      }) : () -> ()
      %dma_wait3A_396 = arith.constant 12 : i32
      %dma_wait3A_397 = arith.constant 0 : i32
      %dma_wait3A_398 = arith.constant 0 : i32
      %dma_wait3A_399 = tpu.memref_slice %arg6[%dma_wait3A_396, %dma_wait3A_397, %dma_wait3A_398] : memref<16x56x64xf32, #tpu.memory_space<vmem>> -> memref<1x56x64xf32, #tpu.memory_space<vmem>>
      %dma_wait3A_400 = tpu.memref_squeeze %dma_wait3A_399 : memref<1x56x64xf32, #tpu.memory_space<vmem>> -> memref<56x64xf32, #tpu.memory_space<vmem>>
      %dma_wait3A_401 = arith.constant 0 : i32
      %dma_wait3A_402 = tpu.memref_slice %arg5[%add3A_167, %dma_wait3A_401] : memref<128x56xi32, #tpu.memory_space<vmem>> -> memref<1x56xi32, #tpu.memory_space<vmem>>
      %dma_wait3A_403 = tpu.memref_squeeze %dma_wait3A_402 : memref<1x56xi32, #tpu.memory_space<vmem>> -> memref<56xi32, #tpu.memory_space<vmem>>
      %dma_wait3A_404 = arith.constant 0 : i32
      %dma_wait3A_405 = arith.constant 0 : i32
      %dma_wait3A_406 = tpu.memref_slice %arg3[%dma_wait3A_404, %dma_wait3A_405] : memref<1000000x64xf32, #tpu.memory_space<hbm>> -> memref<1000000x64xf32, #tpu.memory_space<hbm>>
      tpu.wait_indirect_dma semaphore(%arg19 : memref<!tpu.dma_semaphore, #tpu.memory_space<semaphore_mem>>) src(%dma_wait3A_406 : memref<1000000x64xf32, #tpu.memory_space<hbm>>) dst(%dma_wait3A_400 : memref<56x64xf32, #tpu.memory_space<vmem>>)
      %add3A_407 = arith.addi %mul3A_2, %mul3A_10 : i32
      %add3A_408 = arith.constant 12 : i32
      %add3A_409 = arith.addi %add3A_407, %add3A_408 : i32
      %run_scoped3A_410 = arith.constant 12 : i32
      "tpu.region"() ({
        %run_scoped3A_456 = tpu.sem_alloc : memref<!tpu.dma_semaphore, #tpu.memory_space<semaphore_mem>>
        %dma_start3A_457 = arith.constant 0 : i32
        %dma_start3A_458 = arith.constant 0 : i32
        %dma_start3A_459 = tpu.memref_slice %arg6[%run_scoped3A_410, %dma_start3A_457, %dma_start3A_458] : memref<16x56x64xf32, #tpu.memory_space<vmem>> -> memref<1x56x64xf32, #tpu.memory_space<vmem>>
        %dma_start3A_460 = tpu.memref_squeeze %dma_start3A_459 : memref<1x56x64xf32, #tpu.memory_space<vmem>> -> memref<56x64xf32, #tpu.memory_space<vmem>>
        %dma_start3A_461 = arith.constant 0 : i32
        %dma_start3A_462 = arith.constant 0 : i32
        %dma_start3A_463 = tpu.memref_slice %arg4[%add3A_409, %dma_start3A_461, %dma_start3A_462] : memref<4096x56x128xf32, #tpu.memory_space<hbm>> -> memref<1x56x64xf32, #tpu.memory_space<hbm>>
        %dma_start3A_464 = tpu.memref_squeeze %dma_start3A_463 : memref<1x56x64xf32, #tpu.memory_space<hbm>> -> memref<56x64xf32, #tpu.memory_space<hbm>>
        %dma_start3A_465 = arith.constant 0 : i32
        %dma_start3A_466 = arith.constant 0 : i32
        %dma_start3A_467 = tpu.memref_slice %arg4[%add3A_409, %dma_start3A_465, %dma_start3A_466] : memref<4096x56x128xf32, #tpu.memory_space<hbm>> -> memref<1x56x64xf32, #tpu.memory_space<hbm>>
        %dma_start3A_468 = tpu.memref_squeeze %dma_start3A_467 : memref<1x56x64xf32, #tpu.memory_space<hbm>> -> memref<56x64xf32, #tpu.memory_space<hbm>>
        %dma_start3A_469 = arith.constant 0 : i32
        %dma_start3A_470 = arith.constant 0 : i32
        %dma_start3A_471 = tpu.memref_slice %arg6[%run_scoped3A_410, %dma_start3A_469, %dma_start3A_470] : memref<16x56x64xf32, #tpu.memory_space<vmem>> -> memref<1x56x64xf32, #tpu.memory_space<vmem>>
        %dma_start3A_472 = tpu.memref_squeeze %dma_start3A_471 : memref<1x56x64xf32, #tpu.memory_space<vmem>> -> memref<56x64xf32, #tpu.memory_space<vmem>>
        tpu.enqueue_dma source(%dma_start3A_472 : memref<56x64xf32, #tpu.memory_space<vmem>>) target(%dma_start3A_468 : memref<56x64xf32, #tpu.memory_space<hbm>>) target_semaphore(%run_scoped3A_456 : memref<!tpu.dma_semaphore, #tpu.memory_space<semaphore_mem>>)
        %dma_wait3A_473 = arith.constant 0 : i32
        %dma_wait3A_474 = arith.constant 0 : i32
        %dma_wait3A_475 = tpu.memref_slice %arg6[%run_scoped3A_410, %dma_wait3A_473, %dma_wait3A_474] : memref<16x56x64xf32, #tpu.memory_space<vmem>> -> memref<1x56x64xf32, #tpu.memory_space<vmem>>
        %dma_wait3A_476 = tpu.memref_squeeze %dma_wait3A_475 : memref<1x56x64xf32, #tpu.memory_space<vmem>> -> memref<56x64xf32, #tpu.memory_space<vmem>>
        %dma_wait3A_477 = arith.constant 0 : i32
        %dma_wait3A_478 = arith.constant 0 : i32
        %dma_wait3A_479 = tpu.memref_slice %arg4[%add3A_409, %dma_wait3A_477, %dma_wait3A_478] : memref<4096x56x128xf32, #tpu.memory_space<hbm>> -> memref<1x56x64xf32, #tpu.memory_space<hbm>>
        %dma_wait3A_480 = tpu.memref_squeeze %dma_wait3A_479 : memref<1x56x64xf32, #tpu.memory_space<hbm>> -> memref<56x64xf32, #tpu.memory_space<hbm>>
        %dma_wait3A_481 = arith.constant 0 : i32
        %dma_wait3A_482 = arith.constant 0 : i32
        %dma_wait3A_483 = tpu.memref_slice %arg4[%add3A_409, %dma_wait3A_481, %dma_wait3A_482] : memref<4096x56x128xf32, #tpu.memory_space<hbm>> -> memref<1x56x64xf32, #tpu.memory_space<hbm>>
        %dma_wait3A_484 = tpu.memref_squeeze %dma_wait3A_483 : memref<1x56x64xf32, #tpu.memory_space<hbm>> -> memref<56x64xf32, #tpu.memory_space<hbm>>
        %dma_wait3A_485 = arith.constant 0 : i32
        %dma_wait3A_486 = arith.constant 0 : i32
        %dma_wait3A_487 = tpu.memref_slice %arg6[%run_scoped3A_410, %dma_wait3A_485, %dma_wait3A_486] : memref<16x56x64xf32, #tpu.memory_space<vmem>> -> memref<1x56x64xf32, #tpu.memory_space<vmem>>
        %dma_wait3A_488 = tpu.memref_squeeze %dma_wait3A_487 : memref<1x56x64xf32, #tpu.memory_space<vmem>> -> memref<56x64xf32, #tpu.memory_space<vmem>>
        tpu.wait_dma2 semaphore(%run_scoped3A_456 : memref<!tpu.dma_semaphore, #tpu.memory_space<semaphore_mem>>) src(%dma_wait3A_488 : memref<56x64xf32, #tpu.memory_space<vmem>>) dst(%dma_wait3A_484 : memref<56x64xf32, #tpu.memory_space<hbm>>)
        tpu.yield
      }) : () -> ()
      %dma_wait3A_411 = arith.constant 13 : i32
      %dma_wait3A_412 = arith.constant 0 : i32
      %dma_wait3A_413 = arith.constant 0 : i32
      %dma_wait3A_414 = tpu.memref_slice %arg6[%dma_wait3A_411, %dma_wait3A_412, %dma_wait3A_413] : memref<16x56x64xf32, #tpu.memory_space<vmem>> -> memref<1x56x64xf32, #tpu.memory_space<vmem>>
      %dma_wait3A_415 = tpu.memref_squeeze %dma_wait3A_414 : memref<1x56x64xf32, #tpu.memory_space<vmem>> -> memref<56x64xf32, #tpu.memory_space<vmem>>
      %dma_wait3A_416 = arith.constant 0 : i32
      %dma_wait3A_417 = tpu.memref_slice %arg5[%add3A_180, %dma_wait3A_416] : memref<128x56xi32, #tpu.memory_space<vmem>> -> memref<1x56xi32, #tpu.memory_space<vmem>>
      %dma_wait3A_418 = tpu.memref_squeeze %dma_wait3A_417 : memref<1x56xi32, #tpu.memory_space<vmem>> -> memref<56xi32, #tpu.memory_space<vmem>>
      %dma_wait3A_419 = arith.constant 0 : i32
      %dma_wait3A_420 = arith.constant 0 : i32
      %dma_wait3A_421 = tpu.memref_slice %arg3[%dma_wait3A_419, %dma_wait3A_420] : memref<1000000x64xf32, #tpu.memory_space<hbm>> -> memref<1000000x64xf32, #tpu.memory_space<hbm>>
      tpu.wait_indirect_dma semaphore(%arg20 : memref<!tpu.dma_semaphore, #tpu.memory_space<semaphore_mem>>) src(%dma_wait3A_421 : memref<1000000x64xf32, #tpu.memory_space<hbm>>) dst(%dma_wait3A_415 : memref<56x64xf32, #tpu.memory_space<vmem>>)
      %add3A_422 = arith.addi %mul3A_2, %mul3A_10 : i32
      %add3A_423 = arith.constant 13 : i32
      %add3A_424 = arith.addi %add3A_422, %add3A_423 : i32
      %run_scoped3A_425 = arith.constant 13 : i32
      "tpu.region"() ({
        %run_scoped3A_456 = tpu.sem_alloc : memref<!tpu.dma_semaphore, #tpu.memory_space<semaphore_mem>>
        %dma_start3A_457 = arith.constant 0 : i32
        %dma_start3A_458 = arith.constant 0 : i32
        %dma_start3A_459 = tpu.memref_slice %arg6[%run_scoped3A_425, %dma_start3A_457, %dma_start3A_458] : memref<16x56x64xf32, #tpu.memory_space<vmem>> -> memref<1x56x64xf32, #tpu.memory_space<vmem>>
        %dma_start3A_460 = tpu.memref_squeeze %dma_start3A_459 : memref<1x56x64xf32, #tpu.memory_space<vmem>> -> memref<56x64xf32, #tpu.memory_space<vmem>>
        %dma_start3A_461 = arith.constant 0 : i32
        %dma_start3A_462 = arith.constant 0 : i32
        %dma_start3A_463 = tpu.memref_slice %arg4[%add3A_424, %dma_start3A_461, %dma_start3A_462] : memref<4096x56x128xf32, #tpu.memory_space<hbm>> -> memref<1x56x64xf32, #tpu.memory_space<hbm>>
        %dma_start3A_464 = tpu.memref_squeeze %dma_start3A_463 : memref<1x56x64xf32, #tpu.memory_space<hbm>> -> memref<56x64xf32, #tpu.memory_space<hbm>>
        %dma_start3A_465 = arith.constant 0 : i32
        %dma_start3A_466 = arith.constant 0 : i32
        %dma_start3A_467 = tpu.memref_slice %arg4[%add3A_424, %dma_start3A_465, %dma_start3A_466] : memref<4096x56x128xf32, #tpu.memory_space<hbm>> -> memref<1x56x64xf32, #tpu.memory_space<hbm>>
        %dma_start3A_468 = tpu.memref_squeeze %dma_start3A_467 : memref<1x56x64xf32, #tpu.memory_space<hbm>> -> memref<56x64xf32, #tpu.memory_space<hbm>>
        %dma_start3A_469 = arith.constant 0 : i32
        %dma_start3A_470 = arith.constant 0 : i32
        %dma_start3A_471 = tpu.memref_slice %arg6[%run_scoped3A_425, %dma_start3A_469, %dma_start3A_470] : memref<16x56x64xf32, #tpu.memory_space<vmem>> -> memref<1x56x64xf32, #tpu.memory_space<vmem>>
        %dma_start3A_472 = tpu.memref_squeeze %dma_start3A_471 : memref<1x56x64xf32, #tpu.memory_space<vmem>> -> memref<56x64xf32, #tpu.memory_space<vmem>>
        tpu.enqueue_dma source(%dma_start3A_472 : memref<56x64xf32, #tpu.memory_space<vmem>>) target(%dma_start3A_468 : memref<56x64xf32, #tpu.memory_space<hbm>>) target_semaphore(%run_scoped3A_456 : memref<!tpu.dma_semaphore, #tpu.memory_space<semaphore_mem>>)
        %dma_wait3A_473 = arith.constant 0 : i32
        %dma_wait3A_474 = arith.constant 0 : i32
        %dma_wait3A_475 = tpu.memref_slice %arg6[%run_scoped3A_425, %dma_wait3A_473, %dma_wait3A_474] : memref<16x56x64xf32, #tpu.memory_space<vmem>> -> memref<1x56x64xf32, #tpu.memory_space<vmem>>
        %dma_wait3A_476 = tpu.memref_squeeze %dma_wait3A_475 : memref<1x56x64xf32, #tpu.memory_space<vmem>> -> memref<56x64xf32, #tpu.memory_space<vmem>>
        %dma_wait3A_477 = arith.constant 0 : i32
        %dma_wait3A_478 = arith.constant 0 : i32
        %dma_wait3A_479 = tpu.memref_slice %arg4[%add3A_424, %dma_wait3A_477, %dma_wait3A_478] : memref<4096x56x128xf32, #tpu.memory_space<hbm>> -> memref<1x56x64xf32, #tpu.memory_space<hbm>>
        %dma_wait3A_480 = tpu.memref_squeeze %dma_wait3A_479 : memref<1x56x64xf32, #tpu.memory_space<hbm>> -> memref<56x64xf32, #tpu.memory_space<hbm>>
        %dma_wait3A_481 = arith.constant 0 : i32
        %dma_wait3A_482 = arith.constant 0 : i32
        %dma_wait3A_483 = tpu.memref_slice %arg4[%add3A_424, %dma_wait3A_481, %dma_wait3A_482] : memref<4096x56x128xf32, #tpu.memory_space<hbm>> -> memref<1x56x64xf32, #tpu.memory_space<hbm>>
        %dma_wait3A_484 = tpu.memref_squeeze %dma_wait3A_483 : memref<1x56x64xf32, #tpu.memory_space<hbm>> -> memref<56x64xf32, #tpu.memory_space<hbm>>
        %dma_wait3A_485 = arith.constant 0 : i32
        %dma_wait3A_486 = arith.constant 0 : i32
        %dma_wait3A_487 = tpu.memref_slice %arg6[%run_scoped3A_425, %dma_wait3A_485, %dma_wait3A_486] : memref<16x56x64xf32, #tpu.memory_space<vmem>> -> memref<1x56x64xf32, #tpu.memory_space<vmem>>
        %dma_wait3A_488 = tpu.memref_squeeze %dma_wait3A_487 : memref<1x56x64xf32, #tpu.memory_space<vmem>> -> memref<56x64xf32, #tpu.memory_space<vmem>>
        tpu.wait_dma2 semaphore(%run_scoped3A_456 : memref<!tpu.dma_semaphore, #tpu.memory_space<semaphore_mem>>) src(%dma_wait3A_488 : memref<56x64xf32, #tpu.memory_space<vmem>>) dst(%dma_wait3A_484 : memref<56x64xf32, #tpu.memory_space<hbm>>)
        tpu.yield
      }) : () -> ()
      %dma_wait3A_426 = arith.constant 14 : i32
      %dma_wait3A_427 = arith.constant 0 : i32
      %dma_wait3A_428 = arith.constant 0 : i32
      %dma_wait3A_429 = tpu.memref_slice %arg6[%dma_wait3A_426, %dma_wait3A_427, %dma_wait3A_428] : memref<16x56x64xf32, #tpu.memory_space<vmem>> -> memref<1x56x64xf32, #tpu.memory_space<vmem>>
      %dma_wait3A_430 = tpu.memref_squeeze %dma_wait3A_429 : memref<1x56x64xf32, #tpu.memory_space<vmem>> -> memref<56x64xf32, #tpu.memory_space<vmem>>
      %dma_wait3A_431 = arith.constant 0 : i32
      %dma_wait3A_432 = tpu.memref_slice %arg5[%add3A_193, %dma_wait3A_431] : memref<128x56xi32, #tpu.memory_space<vmem>> -> memref<1x56xi32, #tpu.memory_space<vmem>>
      %dma_wait3A_433 = tpu.memref_squeeze %dma_wait3A_432 : memref<1x56xi32, #tpu.memory_space<vmem>> -> memref<56xi32, #tpu.memory_space<vmem>>
      %dma_wait3A_434 = arith.constant 0 : i32
      %dma_wait3A_435 = arith.constant 0 : i32
      %dma_wait3A_436 = tpu.memref_slice %arg3[%dma_wait3A_434, %dma_wait3A_435] : memref<1000000x64xf32, #tpu.memory_space<hbm>> -> memref<1000000x64xf32, #tpu.memory_space<hbm>>
      tpu.wait_indirect_dma semaphore(%arg21 : memref<!tpu.dma_semaphore, #tpu.memory_space<semaphore_mem>>) src(%dma_wait3A_436 : memref<1000000x64xf32, #tpu.memory_space<hbm>>) dst(%dma_wait3A_430 : memref<56x64xf32, #tpu.memory_space<vmem>>)
      %add3A_437 = arith.addi %mul3A_2, %mul3A_10 : i32
      %add3A_438 = arith.constant 14 : i32
      %add3A_439 = arith.addi %add3A_437, %add3A_438 : i32
      %run_scoped3A_440 = arith.constant 14 : i32
      "tpu.region"() ({
        %run_scoped3A_456 = tpu.sem_alloc : memref<!tpu.dma_semaphore, #tpu.memory_space<semaphore_mem>>
        %dma_start3A_457 = arith.constant 0 : i32
        %dma_start3A_458 = arith.constant 0 : i32
        %dma_start3A_459 = tpu.memref_slice %arg6[%run_scoped3A_440, %dma_start3A_457, %dma_start3A_458] : memref<16x56x64xf32, #tpu.memory_space<vmem>> -> memref<1x56x64xf32, #tpu.memory_space<vmem>>
        %dma_start3A_460 = tpu.memref_squeeze %dma_start3A_459 : memref<1x56x64xf32, #tpu.memory_space<vmem>> -> memref<56x64xf32, #tpu.memory_space<vmem>>
        %dma_start3A_461 = arith.constant 0 : i32
        %dma_start3A_462 = arith.constant 0 : i32
        %dma_start3A_463 = tpu.memref_slice %arg4[%add3A_439, %dma_start3A_461, %dma_start3A_462] : memref<4096x56x128xf32, #tpu.memory_space<hbm>> -> memref<1x56x64xf32, #tpu.memory_space<hbm>>
        %dma_start3A_464 = tpu.memref_squeeze %dma_start3A_463 : memref<1x56x64xf32, #tpu.memory_space<hbm>> -> memref<56x64xf32, #tpu.memory_space<hbm>>
        %dma_start3A_465 = arith.constant 0 : i32
        %dma_start3A_466 = arith.constant 0 : i32
        %dma_start3A_467 = tpu.memref_slice %arg4[%add3A_439, %dma_start3A_465, %dma_start3A_466] : memref<4096x56x128xf32, #tpu.memory_space<hbm>> -> memref<1x56x64xf32, #tpu.memory_space<hbm>>
        %dma_start3A_468 = tpu.memref_squeeze %dma_start3A_467 : memref<1x56x64xf32, #tpu.memory_space<hbm>> -> memref<56x64xf32, #tpu.memory_space<hbm>>
        %dma_start3A_469 = arith.constant 0 : i32
        %dma_start3A_470 = arith.constant 0 : i32
        %dma_start3A_471 = tpu.memref_slice %arg6[%run_scoped3A_440, %dma_start3A_469, %dma_start3A_470] : memref<16x56x64xf32, #tpu.memory_space<vmem>> -> memref<1x56x64xf32, #tpu.memory_space<vmem>>
        %dma_start3A_472 = tpu.memref_squeeze %dma_start3A_471 : memref<1x56x64xf32, #tpu.memory_space<vmem>> -> memref<56x64xf32, #tpu.memory_space<vmem>>
        tpu.enqueue_dma source(%dma_start3A_472 : memref<56x64xf32, #tpu.memory_space<vmem>>) target(%dma_start3A_468 : memref<56x64xf32, #tpu.memory_space<hbm>>) target_semaphore(%run_scoped3A_456 : memref<!tpu.dma_semaphore, #tpu.memory_space<semaphore_mem>>)
        %dma_wait3A_473 = arith.constant 0 : i32
        %dma_wait3A_474 = arith.constant 0 : i32
        %dma_wait3A_475 = tpu.memref_slice %arg6[%run_scoped3A_440, %dma_wait3A_473, %dma_wait3A_474] : memref<16x56x64xf32, #tpu.memory_space<vmem>> -> memref<1x56x64xf32, #tpu.memory_space<vmem>>
        %dma_wait3A_476 = tpu.memref_squeeze %dma_wait3A_475 : memref<1x56x64xf32, #tpu.memory_space<vmem>> -> memref<56x64xf32, #tpu.memory_space<vmem>>
        %dma_wait3A_477 = arith.constant 0 : i32
        %dma_wait3A_478 = arith.constant 0 : i32
        %dma_wait3A_479 = tpu.memref_slice %arg4[%add3A_439, %dma_wait3A_477, %dma_wait3A_478] : memref<4096x56x128xf32, #tpu.memory_space<hbm>> -> memref<1x56x64xf32, #tpu.memory_space<hbm>>
        %dma_wait3A_480 = tpu.memref_squeeze %dma_wait3A_479 : memref<1x56x64xf32, #tpu.memory_space<hbm>> -> memref<56x64xf32, #tpu.memory_space<hbm>>
        %dma_wait3A_481 = arith.constant 0 : i32
        %dma_wait3A_482 = arith.constant 0 : i32
        %dma_wait3A_483 = tpu.memref_slice %arg4[%add3A_439, %dma_wait3A_481, %dma_wait3A_482] : memref<4096x56x128xf32, #tpu.memory_space<hbm>> -> memref<1x56x64xf32, #tpu.memory_space<hbm>>
        %dma_wait3A_484 = tpu.memref_squeeze %dma_wait3A_483 : memref<1x56x64xf32, #tpu.memory_space<hbm>> -> memref<56x64xf32, #tpu.memory_space<hbm>>
        %dma_wait3A_485 = arith.constant 0 : i32
        %dma_wait3A_486 = arith.constant 0 : i32
        %dma_wait3A_487 = tpu.memref_slice %arg6[%run_scoped3A_440, %dma_wait3A_485, %dma_wait3A_486] : memref<16x56x64xf32, #tpu.memory_space<vmem>> -> memref<1x56x64xf32, #tpu.memory_space<vmem>>
        %dma_wait3A_488 = tpu.memref_squeeze %dma_wait3A_487 : memref<1x56x64xf32, #tpu.memory_space<vmem>> -> memref<56x64xf32, #tpu.memory_space<vmem>>
        tpu.wait_dma2 semaphore(%run_scoped3A_456 : memref<!tpu.dma_semaphore, #tpu.memory_space<semaphore_mem>>) src(%dma_wait3A_488 : memref<56x64xf32, #tpu.memory_space<vmem>>) dst(%dma_wait3A_484 : memref<56x64xf32, #tpu.memory_space<hbm>>)
        tpu.yield
      }) : () -> ()
      %dma_wait3A_441 = arith.constant 15 : i32
      %dma_wait3A_442 = arith.constant 0 : i32
      %dma_wait3A_443 = arith.constant 0 : i32
      %dma_wait3A_444 = tpu.memref_slice %arg6[%dma_wait3A_441, %dma_wait3A_442, %dma_wait3A_443] : memref<16x56x64xf32, #tpu.memory_space<vmem>> -> memref<1x56x64xf32, #tpu.memory_space<vmem>>
      %dma_wait3A_445 = tpu.memref_squeeze %dma_wait3A_444 : memref<1x56x64xf32, #tpu.memory_space<vmem>> -> memref<56x64xf32, #tpu.memory_space<vmem>>
      %dma_wait3A_446 = arith.constant 0 : i32
      %dma_wait3A_447 = tpu.memref_slice %arg5[%add3A_206, %dma_wait3A_446] : memref<128x56xi32, #tpu.memory_space<vmem>> -> memref<1x56xi32, #tpu.memory_space<vmem>>
      %dma_wait3A_448 = tpu.memref_squeeze %dma_wait3A_447 : memref<1x56xi32, #tpu.memory_space<vmem>> -> memref<56xi32, #tpu.memory_space<vmem>>
      %dma_wait3A_449 = arith.constant 0 : i32
      %dma_wait3A_450 = arith.constant 0 : i32
      %dma_wait3A_451 = tpu.memref_slice %arg3[%dma_wait3A_449, %dma_wait3A_450] : memref<1000000x64xf32, #tpu.memory_space<hbm>> -> memref<1000000x64xf32, #tpu.memory_space<hbm>>
      tpu.wait_indirect_dma semaphore(%arg22 : memref<!tpu.dma_semaphore, #tpu.memory_space<semaphore_mem>>) src(%dma_wait3A_451 : memref<1000000x64xf32, #tpu.memory_space<hbm>>) dst(%dma_wait3A_445 : memref<56x64xf32, #tpu.memory_space<vmem>>)
      %add3A_452 = arith.addi %mul3A_2, %mul3A_10 : i32
      %add3A_453 = arith.constant 15 : i32
      %add3A_454 = arith.addi %add3A_452, %add3A_453 : i32
      %run_scoped3A_455 = arith.constant 15 : i32
      "tpu.region"() ({
        %run_scoped3A_456 = tpu.sem_alloc : memref<!tpu.dma_semaphore, #tpu.memory_space<semaphore_mem>>
        %dma_start3A_457 = arith.constant 0 : i32
        %dma_start3A_458 = arith.constant 0 : i32
        %dma_start3A_459 = tpu.memref_slice %arg6[%run_scoped3A_455, %dma_start3A_457, %dma_start3A_458] : memref<16x56x64xf32, #tpu.memory_space<vmem>> -> memref<1x56x64xf32, #tpu.memory_space<vmem>>
        %dma_start3A_460 = tpu.memref_squeeze %dma_start3A_459 : memref<1x56x64xf32, #tpu.memory_space<vmem>> -> memref<56x64xf32, #tpu.memory_space<vmem>>
        %dma_start3A_461 = arith.constant 0 : i32
        %dma_start3A_462 = arith.constant 0 : i32
        %dma_start3A_463 = tpu.memref_slice %arg4[%add3A_454, %dma_start3A_461, %dma_start3A_462] : memref<4096x56x128xf32, #tpu.memory_space<hbm>> -> memref<1x56x64xf32, #tpu.memory_space<hbm>>
        %dma_start3A_464 = tpu.memref_squeeze %dma_start3A_463 : memref<1x56x64xf32, #tpu.memory_space<hbm>> -> memref<56x64xf32, #tpu.memory_space<hbm>>
        %dma_start3A_465 = arith.constant 0 : i32
        %dma_start3A_466 = arith.constant 0 : i32
        %dma_start3A_467 = tpu.memref_slice %arg4[%add3A_454, %dma_start3A_465, %dma_start3A_466] : memref<4096x56x128xf32, #tpu.memory_space<hbm>> -> memref<1x56x64xf32, #tpu.memory_space<hbm>>
        %dma_start3A_468 = tpu.memref_squeeze %dma_start3A_467 : memref<1x56x64xf32, #tpu.memory_space<hbm>> -> memref<56x64xf32, #tpu.memory_space<hbm>>
        %dma_start3A_469 = arith.constant 0 : i32
        %dma_start3A_470 = arith.constant 0 : i32
        %dma_start3A_471 = tpu.memref_slice %arg6[%run_scoped3A_455, %dma_start3A_469, %dma_start3A_470] : memref<16x56x64xf32, #tpu.memory_space<vmem>> -> memref<1x56x64xf32, #tpu.memory_space<vmem>>
        %dma_start3A_472 = tpu.memref_squeeze %dma_start3A_471 : memref<1x56x64xf32, #tpu.memory_space<vmem>> -> memref<56x64xf32, #tpu.memory_space<vmem>>
        tpu.enqueue_dma source(%dma_start3A_472 : memref<56x64xf32, #tpu.memory_space<vmem>>) target(%dma_start3A_468 : memref<56x64xf32, #tpu.memory_space<hbm>>) target_semaphore(%run_scoped3A_456 : memref<!tpu.dma_semaphore, #tpu.memory_space<semaphore_mem>>)
        %dma_wait3A_473 = arith.constant 0 : i32
        %dma_wait3A_474 = arith.constant 0 : i32
        %dma_wait3A_475 = tpu.memref_slice %arg6[%run_scoped3A_455, %dma_wait3A_473, %dma_wait3A_474] : memref<16x56x64xf32, #tpu.memory_space<vmem>> -> memref<1x56x64xf32, #tpu.memory_space<vmem>>
        %dma_wait3A_476 = tpu.memref_squeeze %dma_wait3A_475 : memref<1x56x64xf32, #tpu.memory_space<vmem>> -> memref<56x64xf32, #tpu.memory_space<vmem>>
        %dma_wait3A_477 = arith.constant 0 : i32
        %dma_wait3A_478 = arith.constant 0 : i32
        %dma_wait3A_479 = tpu.memref_slice %arg4[%add3A_454, %dma_wait3A_477, %dma_wait3A_478] : memref<4096x56x128xf32, #tpu.memory_space<hbm>> -> memref<1x56x64xf32, #tpu.memory_space<hbm>>
        %dma_wait3A_480 = tpu.memref_squeeze %dma_wait3A_479 : memref<1x56x64xf32, #tpu.memory_space<hbm>> -> memref<56x64xf32, #tpu.memory_space<hbm>>
        %dma_wait3A_481 = arith.constant 0 : i32
        %dma_wait3A_482 = arith.constant 0 : i32
        %dma_wait3A_483 = tpu.memref_slice %arg4[%add3A_454, %dma_wait3A_481, %dma_wait3A_482] : memref<4096x56x128xf32, #tpu.memory_space<hbm>> -> memref<1x56x64xf32, #tpu.memory_space<hbm>>
        %dma_wait3A_484 = tpu.memref_squeeze %dma_wait3A_483 : memref<1x56x64xf32, #tpu.memory_space<hbm>> -> memref<56x64xf32, #tpu.memory_space<hbm>>
        %dma_wait3A_485 = arith.constant 0 : i32
        %dma_wait3A_486 = arith.constant 0 : i32
        %dma_wait3A_487 = tpu.memref_slice %arg6[%run_scoped3A_455, %dma_wait3A_485, %dma_wait3A_486] : memref<16x56x64xf32, #tpu.memory_space<vmem>> -> memref<1x56x64xf32, #tpu.memory_space<vmem>>
        %dma_wait3A_488 = tpu.memref_squeeze %dma_wait3A_487 : memref<1x56x64xf32, #tpu.memory_space<vmem>> -> memref<56x64xf32, #tpu.memory_space<vmem>>
        tpu.wait_dma2 semaphore(%run_scoped3A_456 : memref<!tpu.dma_semaphore, #tpu.memory_space<semaphore_mem>>) src(%dma_wait3A_488 : memref<56x64xf32, #tpu.memory_space<vmem>>) dst(%dma_wait3A_484 : memref<56x64xf32, #tpu.memory_space<hbm>>)
        tpu.yield
      }) : () -> ()
    }
    %scan3A_7 = arith.constant 8 : i32
    return
  }
}

</mosaic_0001>

<sc_bundles>
// kernel: kernel.3.cloned.1.call-start
scs
__scs_entry_jumppad:
0x0: {  	(pc) =	sbr.rel $0x88, $3  }
0x1: {  	(tag) =	ssettag $0x0;
	lr =	simm.s32 $0x1  }
0x2: {  	[smem:$0x3F9F] =	sst lr;
	_ =	strace $0xD0000000  }
0x3: {  	_ = 	snop  }
0x4: {  	_ = 	snop  }
0x5: {  	_ = 	snop  }
0x6: {  	_ = 	snop  }
0x7: {  	_ = 	snop  }
__scs_overlays_trampoline_lowered:
0x8: {  	[smem:$0x3FAE] =	sst s0  }
0x9: {  	[smem:$0x3FAF] =	sst s1  }
0xa: {  	[smem:$0x3FB0] =	sst s2  }
0xb: {  	[smem:$0x3FB1] =	sst s3  }
0xc: {  	[smem:$0x3FB2] =	sst s4  }
0xd: {  	[smem:$0x3FB3] =	sst s5  }
0xe: {  	[smem:$0x3FB4] =	sst s6  }
0xf: {  	[smem:$0x3FB5] =	sst s7  }
0x10: {  	[smem:$0x3FB6] =	sst s8  }
0x11: {  	[smem:$0x3FB7] =	sst s9;
	s0 =	simm.s32 @!p0 $0x0  }
0x12: {  	s1 =	sld [smem:$0x3F9D];
	s0 =	simm.s32 @p0 $0x1  }
0x13: {  	[smem:$0x3FB8] =	sst s0;
	s0 =	simm.s32 @!p1 $0x0  }
0x14: {  	s2 =	sld [smem:$0x3F9C];
	s0 =	simm.s32 @p1 $0x1  }
0x15: {  	[smem:$0x3FB9] =	sst s0;
	s0 =	simm.s32 @!p2 $0x0  }
0x16: {  	s3 =	sld [smem:$0x3FDB];
	s0 =	simm.s32 @p2 $0x1  }
0x17: {  	s4 =	simm.s32 $0x1BF5;
	[smem:$0x3FBB] =	sst s0  }
0x18: {  	s0 =	sld [smem:$0x3F9E];
	_ =	swait.ge [sflag:s4], $0x0  }
0x19: {  	s7 =	sld [smem:$0x3F9F]  }
0x1a: {  	s8 =	sadd.s32 $0xFFFFE003, lr  }
0x1b: {  	s9 =	sadd.s32 $0xFFFFFEF7, lr;
	s5 =	simm.s32 $0xFFFFFFFF;
	p2 =	slt.u32 s8, $0xFFFFF086  }
0x1c: {  	p1 =	slt.u32 s9, $0xF7A;
	s5 =	simm.s32 @!p2 $0x0  }
0x1d: {  	s5 =	simm.s32 @p1 $0x1;
	p0 =	seq.s32 s7, s2  }
0x1e: {  	s7 =	smul.u32 @!p0 $0xF7A, s2;
	p2 =	seq.s32 @!p0 s5, $0x0  }
0x1f: {  	s9 =	smul.u32 $0xF7A, s1;
	s8 =	simm.s32 @!p0 $0x1BF5;
	p2 =	por !p2, p0  }
0x20: {  	[sflag:s8] =	ssyncset.s32 @!p0 $0xFFFFF086;
	s6 =	sadd.s32 @!p0 s3, s7;
	s7 =	simm.s32 @!p0 $0x108  }
0x21: {  	s3 =	sadd.s32 s3, s9;
	s6 =	sadd.s32 @!p0 $0x88, s6;
	s7 =	simm.s32 @p2 $0x1082  }
0x22: {  	[simem:s7], [sflag:s8] =	dma.local @!p0 [hbm:s6], $0xF7A  }
0x23: {  	s9 =	sor.u32 $0xD0000000, s2;
	s6 =	simm.s32 $0x108;
	_ =	swait.ge @!p0 [sflag:s8], $0x0  }
0x24: {  	s3 =	sadd.s32 $0x88, s3;
	s6 =	simm.s32 @!p1 $0x1082;
	[sflag:s4] =	ssyncset.s32 $0xFFFFF086  }
0x25: {  	[simem:s6], [sflag:s4] =	dma.local [hbm:s3], $0xF7A  }
0x26: {  	[smem:$0x3F9F] =	sst s1;
	(tag) =	ssettag s2;
	_ =	strace s9  }
0x27: {  	s1 =	sld [smem:$0x3FAF]  }
0x28: {  	s2 =	sld [smem:$0x3FB0]  }
0x29: {  	s4 =	sld [smem:$0x3FB2]  }
0x2a: {  	p0 =	seq.s32 s5, $0x0;
	s5 =	sld [smem:$0x3FB3]  }
0x2b: {  	s6 =	sld [smem:$0x3FB4]  }
0x2c: {  	s7 =	sld [smem:$0x3FB5]  }
0x2d: {  	s3 =	simm.s32 $0x108;
	s8 =	sld [smem:$0x3FB6]  }
0x2e: {  	s3 =	simm.s32 @!p0 $0x1082;
	s9 =	sld [smem:$0x3FB7]  }
0x2f: {  	lr =	sadd.s32 s0, s3;
	s0 =	sld [smem:$0x3FAE]  }
0x30: {  	s3 =	sld [smem:$0x3FB1]  }
0x31: {  	[smem:$0x3FBA] =	sst s10  }
0x32: {  	s10 =	sld [smem:$0x3FB8];
	_ =	sdelay $0x3  }
0x33: {  	p0 =	seq.s32 s10, $0x1;
	s10 =	sld [smem:$0x3FBA];
	_ =	sdelay $0x3  }
0x34: {  	[smem:$0x3FBA] =	sst s10  }
0x35: {  	s10 =	sld [smem:$0x3FB9];
	_ =	sdelay $0x3  }
0x36: {  	p1 =	seq.s32 s10, $0x1;
	s10 =	sld [smem:$0x3FBA];
	_ =	sdelay $0x3  }
0x37: {  	[smem:$0x3FBA] =	sst s10  }
0x38: {  	s10 =	sld [smem:$0x3FBB]  }
0x39: {  	_ = 	snop;
	(pc) =	sbr.ind lr, $3  }
0x3a: {  	_ = 	snop  }
0x3b: {  	_ = 	snop  }
0x3c: {  	p2 =	seq.s32 s10, $0x1;
	s10 =	sld [smem:$0x3FBA]  }
0x3d: {  	_ =	shalt  }
0x3e: {  	_ =	shalt  }
0x3f: {  	_ =	shalt  }
0x40: {  	_ =	shalt  }
0x41: {  	_ =	shalt  }
0x42: {  	_ =	shalt  }
0x43: {  	_ =	shalt  }
0x44: {  	_ =	shalt  }
0x45: {  	_ =	shalt  }
0x46: {  	_ =	shalt  }
0x47: {  	_ =	shalt  }
0x48: {  	_ =	shalt  }
0x49: {  	_ =	shalt  }
0x4a: {  	_ =	shalt  }
0x4b: {  	_ =	shalt  }
0x4c: {  	_ =	shalt  }
0x4d: {  	_ =	shalt  }
0x4e: {  	_ =	shalt  }
0x4f: {  	_ =	shalt  }
0x50: {  	_ =	shalt  }
0x51: {  	_ =	shalt  }
0x52: {  	_ =	shalt  }
0x53: {  	_ =	shalt  }
0x54: {  	_ =	shalt  }
0x55: {  	_ =	shalt  }
0x56: {  	_ =	shalt  }
0x57: {  	_ =	shalt  }
0x58: {  	_ =	shalt  }
0x59: {  	_ =	shalt  }
0x5a: {  	_ =	shalt  }
0x5b: {  	_ =	shalt  }
0x5c: {  	_ =	shalt  }
0x5d: {  	_ =	shalt  }
0x5e: {  	_ =	shalt  }
0x5f: {  	_ =	shalt  }
0x60: {  	_ =	shalt  }
0x61: {  	_ =	shalt  }
0x62: {  	_ =	shalt  }
0x63: {  	_ =	shalt  }
0x64: {  	_ =	shalt  }
0x65: {  	_ =	shalt  }
0x66: {  	_ =	shalt  }
0x67: {  	_ =	shalt  }
0x68: {  	_ =	shalt  }
0x69: {  	_ =	shalt  }
0x6a: {  	_ =	shalt  }
0x6b: {  	_ =	shalt  }
0x6c: {  	_ =	shalt  }
0x6d: {  	_ =	shalt  }
0x6e: {  	_ =	shalt  }
0x6f: {  	_ =	shalt  }
0x70: {  	_ =	shalt  }
0x71: {  	_ =	shalt  }
0x72: {  	_ =	shalt  }
0x73: {  	_ =	shalt  }
0x74: {  	_ =	shalt  }
0x75: {  	_ =	shalt  }
0x76: {  	_ =	shalt  }
0x77: {  	_ =	shalt  }
0x78: {  	_ =	shalt  }
0x79: {  	_ =	shalt  }
0x7a: {  	_ =	shalt  }
0x7b: {  	_ =	shalt  }
0x7c: {  	_ =	shalt  }
0x7d: {  	_ =	shalt  }
0x7e: {  	_ =	shalt  }
0x7f: {  	_ =	shalt  }
0x80: {  	_ =	shalt  }
0x81: {  	_ =	shalt  }
0x82: {  	_ =	shalt  }
0x83: {  	_ =	shalt  }
0x84: {  	_ =	shalt  }
0x85: {  	_ =	shalt  }
0x86: {  	_ =	shalt  }
0x87: {  	_ =	shalt  }
.Lfunc_end0:
.L_simem_size_0:
called_computation.1_lowered:
.L_overlay_start_0:
0x88: {  	s2 =	sld [smem:$0x3FD9]  }
0x89: {  	s3 =	sld [smem:$0x3FFE];
	_ =	sdelay $0x1  }
0x8a: {  	s1 =	srdreg.scid  }
0x8b: {  	s0 =	sand.u32 $0x1, s1  }
0x8c: {  	s17 =	sshll.u32 s0, $0xA;
	s2 =	sadd.s32 s3, s2  }
0x8d: {  	s2 =	sadd.s32 s2, s17  }
0x8e: {  	[smem:$0x3FC6] =	sst s2  }
0x8f: {  	_ = 	snop  }
0x90: {  	s2 =	sld [smem:$0x3FD0];
	(tm) =	ssettm $0x1  }
0x91: {  	s18 =	sld [smem:$0x3FFB];
	_ =	sdelay $0x3  }
0x92: {  	_ =	strace s18  }
0x93: {  	s3 =	sld [smem:$0x3FFC];
	_ =	sdelay $0x3  }
0x94: {  	_ =	strace s3  }
0x95: {  	s3 =	sld [smem:$0x3FFD];
	_ =	sdelay $0x3  }
0x96: {  	_ =	strace s3  }
0x97: {  	_ =	strace $0x8FFFFFFF  }
0x98: {  	s19 =	sld [smem:$0x3FDB];
	_ =	sdelay $0x1  }
0x99: {  	s4 =	simm.s32 $_scs_section_size  }
0x9a: {  	s5 =	simm.s32 $_size__tile_overlayer_lowered;
	s6 =	simm.s32 $_tile_overlayer_lowered  }
0x9b: {  	s22 =	simm.s32 $0x1BFF;
	s21 =	sshll.u32 s6, $0x1;
	s3 =	sadd.s32 s4, s19  }
0x9c: {  	s7 =	simm.s32 $0x0;
	s20 =	sshll.u32 s5, $0x1;
	s5 =	sadd.s32 s21, s3  }
0x9d: {  	[timem:s7], [sflag:s22] =	dma.local [hbm:s5], s20  }
0x9e: {  	_ =	swait.ge [sflag:s22], s20  }
0x9f: {  	s4 =	ssub.s32 $0x0, s20;
	[sflag:s22] =	ssyncset.done $0x0  }
0xa0: {  	[sflag:s22] =	ssyncadd.s32 s4;
	_ =	sdelay $0x1  }
0xa1: {  	s23 =	simm.s32 $0x1B8B  }
0xa2: {  	_ =	swait.ge [sflag:s23], $0x1  }
0xa3: {  	[sflag:s23] =	ssyncset.done $0x0  }
0xa4: {  	s25 =	simm.s32 $0x1B8E;
	s24 =	sld [smem:$0x3FFE];
	[sflag:s23] =	ssyncadd.s32 $0xFFFFFFFF  }
0xa5: {  	s26 =	simm.s32 $execute0_lowered;
	[smem:$0x3FD2] =	sst s25  }
0xa6: {  	s5 =	sshll.u32 s26, $0x1;
	_ =	strace $0x80000046;
	[dreg:$0x1] =	wrdreg $0xFFFFFFFF  }
0xa7: {  	s28 =	simm.s32 $_size_execute0_lowered;
	s3 =	sadd.s32 s3, s5;
	[dreg:$0x0] =	wrdreg $0x0  }
0xa8: {  	s5 =	sshll.u32 s28, $0x1;
	[dreg:$0x2] =	wrdreg s3  }
0xa9: {  	[dreg:$0x3] =	wrdreg s5  }
0xaa: {  	[dreg:$0x4] =	wrdreg $0xC0  }
0xab: {  	_ =	task [dreg:s7], $0x5FFFF  }
0xac: {  	[dreg:$0x1] =	wrdreg $0xFFFFFFFF  }
0xad: {  	[dreg:$0x0] =	wrdreg $0x60  }
0xae: {  	[dreg:$0x2] =	wrdreg s2  }
0xaf: {  	[dreg:$0x3] =	wrdreg s24  }
0xb0: {  	[dreg:$0x4] =	wrdreg $0x9  }
0xb1: {  	_ =	task.clear_ibuf [dreg:s7], $0x5FFFF;
	_ =	strace $0x90000046  }
0xb2: {  	s29 =	simm.s32 $0x9;
	_ =	strace $0x80000048  }
0xb3: {  	_ =	swait.ge [sflag:s29], $0x1  }
0xb4: {  	[sflag:s29] =	ssyncadd.s32 $0xFFFFFFFF  }
0xb5: {  	_ =	strace $0x90000048  }
0xb6: {  	_ =	sfence  }
0xb7: {  	s30 =	sld [smem:$0x0];
	_ =	sdelay $0x2  }
0xb8: {  	s31 =	sshll.u32 s1, $0xD;
	s1 =	sshrl.u32 s1, $0x2  }
0xb9: {  	s3 =	sand.u32 $0x4000, s31;
	s1 =	sadd.s32 s1, s30  }
0xba: {  	s0 =	sor.u32 s3, s0;
	s1 =	sshll.u32 s1, $0x11  }
0xbb: {  	s0 =	sor.u32 s1, s0  }
0xbc: {  	s0 =	sadd.s32 $0x8F2B, s0  }
0xbd: {  	[sflag:s0] =	ssyncadd.remote.s32 $0x1  }
0xbe: {  	_ =	sfence.sel $0xFFFF  }
0xbf: {  	[dreg:$0x0] =	wrdreg $0xFFFFFFFF;
	(pc) =	sbr.abs _section_cstart, $3  }
0xc0: {  	[dreg:$0x1] =	wrdreg $0xFFFFFFFF  }
0xc1: {  	_ =	task.clear_ibuf [dreg:s7], $0x2FFFF;
	_ =	strace $0x9FFFFFFF  }
0xc2: {  	(tm) =	ssettm $0x7FFFFFFF  }
0xc3: {  	_ =	shalt  }
tec
execute0_lowered:
.L_overlay_start_1:
0x0: {  	(tag) =	ssettag $0x1  }
0x1: {  	s0 =	rddreg [dreg:$0x0]  }
0x2: {  	s1 =	rddreg [dreg:$0x1]  }
0x3: {  	s2 =	srdreg.scid;
	s9 =	stileid.u32  }
0x4: {  	s3 =	simm.s32 $0x0;
	s28 =	simm.s32 $0x40;
	s30 =	simm.s32 $0x7E00  }
0x5: {  	s31 =	simm.s32 $0x8C00;
	s2 =	sand.u32 $0x1, s2;
	s4 =	smul.u32 $0x1C0000, s9  }
0x6: {  	[smem:$0x7FF] =	sst s3;
	s3 =	sadd.s32 $0xF43400, s1;
	s5 =	smul.u32 $0xE0000, s2  }
0x7: {  	s1 =	sadd.s32 $0xE00, s1;
	_ =	strace $0x80000047;
	s6 =	ssub.s32 $0x2, s2  }
0x8: {  	[dreg:$0x11] =	wrdreg s1;
	s7 =	sshrl.u32 s6, $0x1;
	s4 =	sadd.s32 s5, s4  }
0x9: {  	s1 =	ssub.s32 s6, s7;
	s6 =	sshll.u32 s9, $0xC;
	s5 =	sor.u32 $0x1A400, s4  }
0xa: {  	s25 =	sor.u32 $0x18800, s4;
	s29 =	sor.u32 $0x16C00, s4;
	s8 =	sor.u32 $0x15000, s4  }
0xb: {  	s11 =	sor.u32 $0x13400, s4;
	s13 =	sor.u32 $0x11800, s4;
	s1 =	smax.u32 s1, $0x1  }
0xc: {  	s15 =	sor.u32 $0xFC00, s4;
	s5 =	sshrl.u32 s5, $0x3;
	[dreg:$0x13] =	wrdreg s1  }
0xd: {  	s17 =	sor.u32 $0xE000, s4;
	s26 =	sshrl.u32 s25, $0x3;
	[dreg:$0x3] =	wrdreg s5  }
0xe: {  	s19 =	sor.u32 $0xC400, s4;
	s7 =	sshrl.u32 s29, $0x3;
	[dreg:$0x4] =	wrdreg s26  }
0xf: {  	s21 =	sor.u32 $0xA800, s4;
	s10 =	sshrl.u32 s8, $0x3;
	[dreg:$0x5] =	wrdreg s7  }
0x10: {  	s23 =	sor.u32 $0x8C00, s4;
	s12 =	sshrl.u32 s11, $0x3;
	[dreg:$0x6] =	wrdreg s10  }
0x11: {  	s14 =	sshrl.u32 s13, $0x3;
	s16 =	sshrl.u32 s15, $0x3;
	[dreg:$0x7] =	wrdreg s12  }
0x12: {  	s18 =	sshrl.u32 s17, $0x3;
	s20 =	sshrl.u32 s19, $0x3;
	[dreg:$0x8] =	wrdreg s14  }
0x13: {  	s22 =	sshrl.u32 s21, $0x3;
	s8 =	sshll.u32 s2, $0xB;
	[dreg:$0x9] =	wrdreg s16  }
0x14: {  	s24 =	sshrl.u32 s23, $0x3;
	s25 =	sor.u32 $0x7000, s4;
	[dreg:$0xa] =	wrdreg s18  }
0x15: {  	s4 =	sor.u32 $0x5400, s4;
	s2 =	smul.u32 $0x1C000, s2;
	[dreg:$0xb] =	wrdreg s20  }
0x16: {  	s11 =	simm.s32 $0xC;
	s13 =	simm.s32 $0xE;
	[dreg:$0xc] =	wrdreg s22  }
0x17: {  	s15 =	simm.s32 $0x10;
	[dreg:$0xd] =	wrdreg s24;
	s26 =	smul.u32 $0x38000, s9  }
0x18: {  	s5 =	sshrl.u32 s25, $0x3;
	s6 =	sor.u32 s8, s6;
	s4 =	sshrl.u32 s4, $0x3  }
0x19: {  	s7 =	simm.s32 $0x38;
	s8 =	simm.s32 $0x80;
	[dreg:$0xe] =	wrdreg s5  }
0x1a: {  	s9 =	simm.s32 $0x11;
	s0 =	sadd.s32 s0, s6;
	[dreg:$0xf] =	wrdreg s4  }
0x1b: {  	s12 =	simm.s32 $0xD;
	[dreg:$0x12] =	wrdreg s0;
	s29 =	sadd.s32 s2, s26  }
0x1c: {  	s14 =	simm.s32 $0xF;
	s0 =	simm.s32 $0x0;
	[dreg:$0x10] =	wrdreg s29  }
.LBB2_1:
0x1d: {  	[dreg:$0x14] =	wrdreg s0  }
0x1e: {  	s16 =	simm.s32 $0x0;
	s17 =	rddreg [dreg:$0x12]  }
0x1f: {  	[tilespmem:s16], [sflag:$0x11] =	stream.strided.gather [hbm4b:s17+s7], $0x1C00, s8, s7, $0x38;
	[tilespmem:$0xFC00] =	vst v63  }
0x20: {  	_ =	swait.ge [sflag:s9], $0x1C00  }
0x21: {  	[sflag:s9] =	ssyncset.done $0x0  }
0x22: {  	s24 =	simm.s32 $0x0;
	s17 =	simm.s32 $0x1C00;
	[sflag:s9] =	ssyncadd.s32 $0xFFFFE400  }
0x23: {  	[tilespmem:s17], [sflag:$0x1] =	stream.indirect.gather [hbm4b:s3+s7], $0x40, s24, s7, $0xb8;
	[tilespmem:$0xFC00] =	vst v63  }
0x24: {  	s25 =	simm.s32 $0x38;
	s18 =	simm.s32 $0x2A00  }
0x25: {  	[tilespmem:s18], [sflag:$0x2] =	stream.indirect.gather [hbm4b:s3+s7], $0x40, s25, s7, $0xb8;
	[tilespmem:$0xFC00] =	vst v63  }
0x26: {  	s26 =	simm.s32 $0x70;
	s20 =	simm.s32 $0x3800  }
0x27: {  	[tilespmem:s20], [sflag:$0x3] =	stream.indirect.gather [hbm4b:s3+s7], $0x40, s26, s7, $0xb8;
	[tilespmem:$0xFC00] =	vst v63  }
0x28: {  	s29 =	simm.s32 $0xA8;
	s21 =	simm.s32 $0x4600  }
0x29: {  	[tilespmem:s21], [sflag:$0x4] =	stream.indirect.gather [hbm4b:s3+s7], $0x40, s29, s7, $0xb8;
	[tilespmem:$0xFC00] =	vst v63  }
0x2a: {  	s0 =	simm.s32 $0xE0;
	s22 =	simm.s32 $0x5400  }
0x2b: {  	[tilespmem:s22], [sflag:$0x5] =	stream.indirect.gather [hbm4b:s3+s7], $0x40, s0, s7, $0xb8;
	[tilespmem:$0xFC00] =	vst v63  }
0x2c: {  	s1 =	simm.s32 $0x118;
	s23 =	simm.s32 $0x6200  }
0x2d: {  	[tilespmem:s23], [sflag:$0x6] =	stream.indirect.gather [hbm4b:s3+s7], $0x40, s1, s7, $0xb8;
	[tilespmem:$0xFC00] =	vst v63  }
0x2e: {  	s2 =	simm.s32 $0x150;
	s24 =	simm.s32 $0x7000  }
0x2f: {  	[tilespmem:s24], [sflag:$0x7] =	stream.indirect.gather [hbm4b:s3+s7], $0x40, s2, s7, $0xb8;
	[tilespmem:$0xFC00] =	vst v63  }
0x30: {  	s4 =	simm.s32 $0x188;
	s25 =	simm.s32 $0x7E00  }
0x31: {  	[tilespmem:s25], [sflag:$0x8] =	stream.indirect.gather [hbm4b:s3+s7], $0x40, s4, s7, $0xb8;
	[tilespmem:$0xFC00] =	vst v63  }
0x32: {  	s5 =	simm.s32 $0x1C0;
	s26 =	simm.s32 $0x8C00  }
0x33: {  	[tilespmem:s26], [sflag:$0x9] =	stream.indirect.gather [hbm4b:s3+s7], $0x40, s5, s7, $0xb8;
	[tilespmem:$0xFC00] =	vst v63  }
0x34: {  	s6 =	simm.s32 $0x1F8;
	s0 =	simm.s32 $0x9A00  }
0x35: {  	[tilespmem:s0], [sflag:$0xA] =	stream.indirect.gather [hbm4b:s3+s7], $0x40, s6, s7, $0xb8;
	[tilespmem:$0xFC00] =	vst v63  }
0x36: {  	s10 =	simm.s32 $0x230;
	s1 =	simm.s32 $0xA800  }
0x37: {  	[tilespmem:s1], [sflag:$0xB] =	stream.indirect.gather [hbm4b:s3+s7], $0x40, s10, s7, $0xb8;
	[tilespmem:$0xFC00] =	vst v63  }
0x38: {  	s19 =	simm.s32 $0x268;
	s2 =	simm.s32 $0xB600  }
0x39: {  	[tilespmem:s2], [sflag:$0xC] =	stream.indirect.gather [hbm4b:s3+s7], $0x40, s19, s7, $0xb8;
	[tilespmem:$0xFC00] =	vst v63  }
0x3a: {  	s29 =	simm.s32 $0x2A0;
	s5 =	simm.s32 $0xC400  }
0x3b: {  	[tilespmem:s5], [sflag:$0xD] =	stream.indirect.gather [hbm4b:s3+s7], $0x40, s29, s7, $0xb8;
	[tilespmem:$0xFC00] =	vst v63  }
0x3c: {  	s4 =	simm.s32 $0x2D8;
	s6 =	simm.s32 $0xD200  }
0x3d: {  	[tilespmem:s6], [sflag:$0xE] =	stream.indirect.gather [hbm4b:s3+s7], $0x40, s4, s7, $0xb8;
	[tilespmem:$0xFC00] =	vst v63  }
0x3e: {  	s10 =	simm.s32 $0x310;
	s4 =	simm.s32 $0xE000  }
0x3f: {  	[tilespmem:s4], [sflag:$0xF] =	stream.indirect.gather [hbm4b:s3+s7], $0x40, s10, s7, $0xb8;
	[tilespmem:$0xFC00] =	vst v63  }
0x40: {  	s19 =	simm.s32 $0x348;
	s10 =	simm.s32 $0xEE00  }
0x41: {  	[tilespmem:s10], [sflag:$0x10] =	stream.indirect.gather [hbm4b:s3+s7], $0x40, s19, s7, $0xb8;
	[tilespmem:$0xFC00] =	vst v63  }
0x42: {  	s19 =	simm.s32 $0x1  }
0x43: {  	_ =	swait.ge [sflag:s19], $0xE00  }
0x44: {  	s29 =	rddreg [dreg:$0x10];
	[sflag:s19] =	ssyncset.done $0x0  }
0x45: {  	[sflag:s19] =	ssyncadd.s32 $0xFFFFF200;
	s19 =	rddreg [dreg:$0x11]  }
0x46: {  	s16 =	sadd.s32 s19, s29  }
0x47: {  	[hbm4b:s16+s28] =	stream.strided.scatter [tilespmem:s17], [sflag:$0x11], $0xE00, s8, s28, $0x38;
	[tilespmem:$0xFC00] =	vst v63  }
0x48: {  	_ =	swait.ge [sflag:s9], $0xE00  }
0x49: {  	[sflag:s9] =	ssyncset.done $0x0  }
0x4a: {  	s29 =	simm.s32 $0x2;
	[sflag:s9] =	ssyncadd.s32 $0xFFFFF200  }
0x4b: {  	_ =	swait.ge [sflag:s29], $0xE00  }
0x4c: {  	[sflag:s29] =	ssyncset.done $0x0  }
0x4d: {  	[sflag:s29] =	ssyncadd.s32 $0xFFFFF200;
	s29 =	sadd.s32 $0x380, s16  }
0x4e: {  	[hbm4b:s29+s28] =	stream.strided.scatter [tilespmem:s18], [sflag:$0x11], $0xE00, s8, s28, $0x38;
	[tilespmem:$0xFC00] =	vst v63  }
0x4f: {  	_ =	swait.ge [sflag:s9], $0xE00  }
0x50: {  	[sflag:s9] =	ssyncset.done $0x0  }
0x51: {  	s29 =	simm.s32 $0x3;
	[sflag:s9] =	ssyncadd.s32 $0xFFFFF200  }
0x52: {  	_ =	swait.ge [sflag:s29], $0xE00  }
0x53: {  	[sflag:s29] =	ssyncset.done $0x0  }
0x54: {  	s16 =	sadd.s32 $0x700, s16;
	[sflag:s29] =	ssyncadd.s32 $0xFFFFF200  }
0x55: {  	[hbm4b:s16+s28] =	stream.strided.scatter [tilespmem:s20], [sflag:$0x11], $0xE00, s8, s28, $0x38;
	[tilespmem:$0xFC00] =	vst v63  }
0x56: {  	_ =	swait.ge [sflag:s9], $0xE00  }
0x57: {  	[sflag:s9] =	ssyncset.done $0x0  }
0x58: {  	s18 =	simm.s32 $0x4;
	[sflag:s9] =	ssyncadd.s32 $0xFFFFF200  }
0x59: {  	_ =	swait.ge [sflag:s18], $0xE00  }
0x5a: {  	s20 =	rddreg [dreg:$0xf];
	[sflag:s18] =	ssyncset.done $0x0  }
0x5b: {  	[sflag:s18] =	ssyncadd.s32 $0xFFFFF200;
	s16 =	sadd.s32 s19, s20  }
0x5c: {  	[hbm4b:s16+s28] =	stream.strided.scatter [tilespmem:s21], [sflag:$0x11], $0xE00, s8, s28, $0x38;
	[tilespmem:$0xFC00] =	vst v63  }
0x5d: {  	_ =	swait.ge [sflag:s9], $0xE00  }
0x5e: {  	[sflag:s9] =	ssyncset.done $0x0  }
0x5f: {  	s21 =	simm.s32 $0x5;
	[sflag:s9] =	ssyncadd.s32 $0xFFFFF200  }
0x60: {  	_ =	swait.ge [sflag:s21], $0xE00  }
0x61: {  	s29 =	rddreg [dreg:$0xe];
	[sflag:s21] =	ssyncset.done $0x0  }
0x62: {  	[sflag:s21] =	ssyncadd.s32 $0xFFFFF200;
	s16 =	sadd.s32 s19, s29  }
0x63: {  	[hbm4b:s16+s28] =	stream.strided.scatter [tilespmem:s22], [sflag:$0x11], $0xE00, s8, s28, $0x38;
	[tilespmem:$0xFC00] =	vst v63  }
0x64: {  	_ =	swait.ge [sflag:s9], $0xE00  }
0x65: {  	[sflag:s9] =	ssyncset.done $0x0  }
0x66: {  	s18 =	simm.s32 $0x6;
	[sflag:s9] =	ssyncadd.s32 $0xFFFFF200  }
0x67: {  	_ =	swait.ge [sflag:s18], $0xE00  }
0x68: {  	s20 =	rddreg [dreg:$0xd];
	[sflag:s18] =	ssyncset.done $0x0  }
0x69: {  	[sflag:s18] =	ssyncadd.s32 $0xFFFFF200;
	s16 =	sadd.s32 s19, s20  }
0x6a: {  	[hbm4b:s16+s28] =	stream.strided.scatter [tilespmem:s23], [sflag:$0x11], $0xE00, s8, s28, $0x38;
	[tilespmem:$0xFC00] =	vst v63  }
0x6b: {  	_ =	swait.ge [sflag:s9], $0xE00  }
0x6c: {  	[sflag:s9] =	ssyncset.done $0x0  }
0x6d: {  	s21 =	simm.s32 $0x7;
	[sflag:s9] =	ssyncadd.s32 $0xFFFFF200  }
0x6e: {  	_ =	swait.ge [sflag:s21], $0xE00  }
0x6f: {  	s22 =	rddreg [dreg:$0xc];
	[sflag:s21] =	ssyncset.done $0x0  }
0x70: {  	[sflag:s21] =	ssyncadd.s32 $0xFFFFF200;
	s16 =	sadd.s32 s19, s22  }
0x71: {  	[hbm4b:s16+s28] =	stream.strided.scatter [tilespmem:s24], [sflag:$0x11], $0xE00, s8, s28, $0x38;
	[tilespmem:$0xFC00] =	vst v63  }
0x72: {  	_ =	swait.ge [sflag:s9], $0xE00  }
0x73: {  	[sflag:s9] =	ssyncset.done $0x0  }
0x74: {  	s23 =	simm.s32 $0x8;
	[sflag:s9] =	ssyncadd.s32 $0xFFFFF200  }
0x75: {  	_ =	swait.ge [sflag:s23], $0xE00  }
0x76: {  	s24 =	rddreg [dreg:$0xb];
	[sflag:s23] =	ssyncset.done $0x0  }
0x77: {  	[sflag:s23] =	ssyncadd.s32 $0xFFFFF200;
	s16 =	sadd.s32 s19, s24  }
0x78: {  	[hbm4b:s16+s28] =	stream.strided.scatter [tilespmem:s25], [sflag:$0x11], $0xE00, s8, s28, $0x38;
	[tilespmem:$0xFC00] =	vst v63  }
0x79: {  	_ =	swait.ge [sflag:s9], $0xE00  }
0x7a: {  	[sflag:s9] =	ssyncset.done $0x0  }
0x7b: {  	s25 =	simm.s32 $0x9;
	[sflag:s9] =	ssyncadd.s32 $0xFFFFF200  }
0x7c: {  	_ =	swait.ge [sflag:s25], $0xE00  }
0x7d: {  	s29 =	rddreg [dreg:$0xa];
	[sflag:s25] =	ssyncset.done $0x0  }
0x7e: {  	[sflag:s25] =	ssyncadd.s32 $0xFFFFF200;
	s16 =	sadd.s32 s19, s29  }
0x7f: {  	[hbm4b:s16+s28] =	stream.strided.scatter [tilespmem:s26], [sflag:$0x11], $0xE00, s8, s28, $0x38;
	[tilespmem:$0xFC00] =	vst v63  }
0x80: {  	_ =	swait.ge [sflag:s9], $0xE00  }
0x81: {  	[sflag:s9] =	ssyncset.done $0x0  }
0x82: {  	s18 =	simm.s32 $0xA;
	[sflag:s9] =	ssyncadd.s32 $0xFFFFF200  }
0x83: {  	_ =	swait.ge [sflag:s18], $0xE00  }
0x84: {  	s20 =	rddreg [dreg:$0x9];
	[sflag:s18] =	ssyncset.done $0x0  }
0x85: {  	[sflag:s18] =	ssyncadd.s32 $0xFFFFF200;
	s16 =	sadd.s32 s19, s20  }
0x86: {  	[hbm4b:s16+s28] =	stream.strided.scatter [tilespmem:s0], [sflag:$0x11], $0xE00, s8, s28, $0x38;
	[tilespmem:$0xFC00] =	vst v63  }
0x87: {  	_ =	swait.ge [sflag:s9], $0xE00  }
0x88: {  	[sflag:s9] =	ssyncset.done $0x0  }
0x89: {  	s21 =	simm.s32 $0xB;
	[sflag:s9] =	ssyncadd.s32 $0xFFFFF200  }
0x8a: {  	_ =	swait.ge [sflag:s21], $0xE00  }
0x8b: {  	s22 =	rddreg [dreg:$0x8];
	[sflag:s21] =	ssyncset.done $0x0  }
0x8c: {  	[sflag:s21] =	ssyncadd.s32 $0xFFFFF200;
	s16 =	sadd.s32 s19, s22  }
0x8d: {  	[hbm4b:s16+s28] =	stream.strided.scatter [tilespmem:s1], [sflag:$0x11], $0xE00, s8, s28, $0x38;
	[tilespmem:$0xFC00] =	vst v63  }
0x8e: {  	_ =	swait.ge [sflag:s9], $0xE00  }
0x8f: {  	[sflag:s9] =	ssyncset.done $0x0  }
0x90: {  	[sflag:s9] =	ssyncadd.s32 $0xFFFFF200  }
0x91: {  	_ =	swait.ge [sflag:s11], $0xE00  }
0x92: {  	s23 =	rddreg [dreg:$0x7];
	[sflag:s11] =	ssyncset.done $0x0  }
0x93: {  	[sflag:s11] =	ssyncadd.s32 $0xFFFFF200;
	s16 =	sadd.s32 s19, s23  }
0x94: {  	[hbm4b:s16+s28] =	stream.strided.scatter [tilespmem:s2], [sflag:$0x11], $0xE00, s8, s28, $0x38;
	[tilespmem:$0xFC00] =	vst v63  }
0x95: {  	_ =	swait.ge [sflag:s9], $0xE00  }
0x96: {  	[sflag:s9] =	ssyncset.done $0x0  }
0x97: {  	[sflag:s9] =	ssyncadd.s32 $0xFFFFF200  }
0x98: {  	_ =	swait.ge [sflag:s12], $0xE00  }
0x99: {  	s24 =	rddreg [dreg:$0x6];
	[sflag:s12] =	ssyncset.done $0x0  }
0x9a: {  	[sflag:s12] =	ssyncadd.s32 $0xFFFFF200;
	s16 =	sadd.s32 s19, s24  }
0x9b: {  	[hbm4b:s16+s28] =	stream.strided.scatter [tilespmem:s5], [sflag:$0x11], $0xE00, s8, s28, $0x38;
	[tilespmem:$0xFC00] =	vst v63  }
0x9c: {  	_ =	swait.ge [sflag:s9], $0xE00  }
0x9d: {  	[sflag:s9] =	ssyncset.done $0x0  }
0x9e: {  	[sflag:s9] =	ssyncadd.s32 $0xFFFFF200  }
0x9f: {  	_ =	swait.ge [sflag:s13], $0xE00  }
0xa0: {  	s25 =	rddreg [dreg:$0x5];
	[sflag:s13] =	ssyncset.done $0x0  }
0xa1: {  	[sflag:s13] =	ssyncadd.s32 $0xFFFFF200;
	s16 =	sadd.s32 s19, s25  }
0xa2: {  	[hbm4b:s16+s28] =	stream.strided.scatter [tilespmem:s6], [sflag:$0x11], $0xE00, s8, s28, $0x38;
	[tilespmem:$0xFC00] =	vst v63  }
0xa3: {  	_ =	swait.ge [sflag:s9], $0xE00  }
0xa4: {  	[sflag:s9] =	ssyncset.done $0x0  }
0xa5: {  	[sflag:s9] =	ssyncadd.s32 $0xFFFFF200  }
0xa6: {  	_ =	swait.ge [sflag:s14], $0xE00  }
0xa7: {  	s26 =	rddreg [dreg:$0x4];
	[sflag:s14] =	ssyncset.done $0x0  }
0xa8: {  	[sflag:s14] =	ssyncadd.s32 $0xFFFFF200;
	s16 =	sadd.s32 s19, s26  }
0xa9: {  	[hbm4b:s16+s28] =	stream.strided.scatter [tilespmem:s4], [sflag:$0x11], $0xE00, s8, s28, $0x38;
	[tilespmem:$0xFC00] =	vst v63  }
0xaa: {  	_ =	swait.ge [sflag:s9], $0xE00  }
0xab: {  	[sflag:s9] =	ssyncset.done $0x0  }
0xac: {  	[sflag:s9] =	ssyncadd.s32 $0xFFFFF200  }
0xad: {  	_ =	swait.ge [sflag:s15], $0xE00  }
0xae: {  	s29 =	rddreg [dreg:$0x3];
	[sflag:s15] =	ssyncset.done $0x0  }
0xaf: {  	[sflag:s15] =	ssyncadd.s32 $0xFFFFF200;
	s16 =	sadd.s32 s19, s29  }
0xb0: {  	[hbm4b:s16+s28] =	stream.strided.scatter [tilespmem:s10], [sflag:$0x11], $0xE00, s8, s28, $0x38;
	[tilespmem:$0xFC00] =	vst v63  }
0xb1: {  	s17 =	simm.s32 $0xE00;
	_ =	swait.ge [sflag:s9], $0xE00  }
0xb2: {  	s18 =	simm.s32 $0x1C00;
	s16 =	sadd.s32 $0x3800, s19;
	[sflag:s9] =	ssyncset.done $0x0  }
.LBB2_2:
0xb3: {  	s19 =	sshra.s32 s17, $0x2;
	[sflag:s9] =	ssyncadd.s32 $0xFFFFF200;
	s21 =	simm.s32 $0x1C00  }
0xb4: {  	[tilespmem:s21], [sflag:$0x1] =	stream.indirect.gather [hbm4b:s3+s7], $0x40, s19, s7, $0xb8;
	[tilespmem:$0xFC00] =	vst v63  }
0xb5: {  	s22 =	simm.s32 $0x2A00;
	s23 =	sadd.s32 $0x38, s19  }
0xb6: {  	[tilespmem:s22], [sflag:$0x2] =	stream.indirect.gather [hbm4b:s3+s7], $0x40, s23, s7, $0xb8;
	[tilespmem:$0xFC00] =	vst v63  }
0xb7: {  	s24 =	sadd.s32 $0x70, s19;
	s23 =	simm.s32 $0x3800  }
0xb8: {  	[tilespmem:s23], [sflag:$0x3] =	stream.indirect.gather [hbm4b:s3+s7], $0x40, s24, s7, $0xb8;
	[tilespmem:$0xFC00] =	vst v63  }
0xb9: {  	s25 =	sadd.s32 $0xA8, s19;
	s24 =	simm.s32 $0x4600  }
0xba: {  	[tilespmem:s24], [sflag:$0x4] =	stream.indirect.gather [hbm4b:s3+s7], $0x40, s25, s7, $0xb8;
	[tilespmem:$0xFC00] =	vst v63  }
0xbb: {  	s26 =	sadd.s32 $0xE0, s19;
	s25 =	simm.s32 $0x5400  }
0xbc: {  	[tilespmem:s25], [sflag:$0x5] =	stream.indirect.gather [hbm4b:s3+s7], $0x40, s26, s7, $0xb8;
	[tilespmem:$0xFC00] =	vst v63  }
0xbd: {  	s29 =	sadd.s32 $0x118, s19;
	s26 =	simm.s32 $0x6200  }
0xbe: {  	[tilespmem:s26], [sflag:$0x6] =	stream.indirect.gather [hbm4b:s3+s7], $0x40, s29, s7, $0xb8;
	[tilespmem:$0xFC00] =	vst v63  }
0xbf: {  	s0 =	sadd.s32 $0x150, s19;
	s29 =	simm.s32 $0x7000  }
0xc0: {  	[tilespmem:s29], [sflag:$0x7] =	stream.indirect.gather [hbm4b:s3+s7], $0x40, s0, s7, $0xb8;
	[tilespmem:$0xFC00] =	vst v63  }
0xc1: {  	s1 =	sadd.s32 $0x188, s19  }
0xc2: {  	[tilespmem:s30], [sflag:$0x8] =	stream.indirect.gather [hbm4b:s3+s7], $0x40, s1, s7, $0xb8;
	[tilespmem:$0xFC00] =	vst v63  }
0xc3: {  	s2 =	sadd.s32 $0x1C0, s19  }
0xc4: {  	[tilespmem:s31], [sflag:$0x9] =	stream.indirect.gather [hbm4b:s3+s7], $0x40, s2, s7, $0xb8;
	[tilespmem:$0xFC00] =	vst v63  }
0xc5: {  	s4 =	sadd.s32 $0x1F8, s19;
	s0 =	simm.s32 $0x9A00  }
0xc6: {  	[tilespmem:s0], [sflag:$0xA] =	stream.indirect.gather [hbm4b:s3+s7], $0x40, s4, s7, $0xb8;
	[tilespmem:$0xFC00] =	vst v63  }
0xc7: {  	s5 =	sadd.s32 $0x230, s19;
	s1 =	simm.s32 $0xA800  }
0xc8: {  	[tilespmem:s1], [sflag:$0xB] =	stream.indirect.gather [hbm4b:s3+s7], $0x40, s5, s7, $0xb8;
	[tilespmem:$0xFC00] =	vst v63  }
0xc9: {  	s6 =	sadd.s32 $0x268, s19;
	s2 =	simm.s32 $0xB600  }
0xca: {  	[tilespmem:s2], [sflag:$0xC] =	stream.indirect.gather [hbm4b:s3+s7], $0x40, s6, s7, $0xb8;
	[tilespmem:$0xFC00] =	vst v63  }
0xcb: {  	s10 =	sadd.s32 $0x2A0, s19;
	s5 =	simm.s32 $0xC400  }
0xcc: {  	[tilespmem:s5], [sflag:$0xD] =	stream.indirect.gather [hbm4b:s3+s7], $0x40, s10, s7, $0xb8;
	[tilespmem:$0xFC00] =	vst v63  }
0xcd: {  	s4 =	sadd.s32 $0x2D8, s19;
	s6 =	simm.s32 $0xD200  }
0xce: {  	[tilespmem:s6], [sflag:$0xE] =	stream.indirect.gather [hbm4b:s3+s7], $0x40, s4, s7, $0xb8;
	[tilespmem:$0xFC00] =	vst v63  }
0xcf: {  	s10 =	sadd.s32 $0x310, s19;
	s4 =	simm.s32 $0xE000  }
0xd0: {  	[tilespmem:s4], [sflag:$0xF] =	stream.indirect.gather [hbm4b:s3+s7], $0x40, s10, s7, $0xb8;
	[tilespmem:$0xFC00] =	vst v63  }
0xd1: {  	s19 =	sadd.s32 $0x348, s19;
	s10 =	simm.s32 $0xEE00  }
0xd2: {  	[tilespmem:s10], [sflag:$0x10] =	stream.indirect.gather [hbm4b:s3+s7], $0x40, s19, s7, $0xb8;
	[tilespmem:$0xFC00] =	vst v63  }
0xd3: {  	s19 =	simm.s32 $0x1  }
0xd4: {  	s17 =	smov.u32 s18;
	s20 =	sadd.s32 $0xE00, s18;
	_ =	swait.ge [sflag:s19], $0xE00  }
0xd5: {  	p0 =	sne.s32 s18, $0x6200;
	s18 =	rddreg [dreg:$0x10];
	[sflag:s19] =	ssyncset.done $0x0  }
0xd6: {  	[sflag:s19] =	ssyncadd.s32 $0xFFFFF200;
	s18 =	sadd.s32 s16, s18  }
0xd7: {  	[hbm4b:s18+s28] =	stream.strided.scatter [tilespmem:s21], [sflag:$0x11], $0xE00, s8, s28, $0x38;
	[tilespmem:$0xFC00] =	vst v63  }
0xd8: {  	_ =	swait.ge [sflag:s9], $0xE00  }
0xd9: {  	[sflag:s9] =	ssyncset.done $0x0  }
0xda: {  	s21 =	simm.s32 $0x2;
	[sflag:s9] =	ssyncadd.s32 $0xFFFFF200  }
0xdb: {  	_ =	swait.ge [sflag:s21], $0xE00  }
0xdc: {  	[sflag:s21] =	ssyncset.done $0x0  }
0xdd: {  	[sflag:s21] =	ssyncadd.s32 $0xFFFFF200;
	s21 =	sadd.s32 $0x380, s18  }
0xde: {  	[hbm4b:s21+s28] =	stream.strided.scatter [tilespmem:s22], [sflag:$0x11], $0xE00, s8, s28, $0x38;
	[tilespmem:$0xFC00] =	vst v63  }
0xdf: {  	_ =	swait.ge [sflag:s9], $0xE00  }
0xe0: {  	[sflag:s9] =	ssyncset.done $0x0  }
0xe1: {  	s22 =	simm.s32 $0x3;
	[sflag:s9] =	ssyncadd.s32 $0xFFFFF200  }
0xe2: {  	_ =	swait.ge [sflag:s22], $0xE00  }
0xe3: {  	[sflag:s22] =	ssyncset.done $0x0  }
0xe4: {  	s18 =	sadd.s32 $0x700, s18;
	[sflag:s22] =	ssyncadd.s32 $0xFFFFF200  }
0xe5: {  	[hbm4b:s18+s28] =	stream.strided.scatter [tilespmem:s23], [sflag:$0x11], $0xE00, s8, s28, $0x38;
	[tilespmem:$0xFC00] =	vst v63  }
0xe6: {  	_ =	swait.ge [sflag:s9], $0xE00  }
0xe7: {  	[sflag:s9] =	ssyncset.done $0x0  }
0xe8: {  	s18 =	simm.s32 $0x4;
	[sflag:s9] =	ssyncadd.s32 $0xFFFFF200  }
0xe9: {  	_ =	swait.ge [sflag:s18], $0xE00  }
0xea: {  	s21 =	rddreg [dreg:$0xf];
	[sflag:s18] =	ssyncset.done $0x0  }
0xeb: {  	[sflag:s18] =	ssyncadd.s32 $0xFFFFF200;
	s18 =	sadd.s32 s16, s21  }
0xec: {  	[hbm4b:s18+s28] =	stream.strided.scatter [tilespmem:s24], [sflag:$0x11], $0xE00, s8, s28, $0x38;
	[tilespmem:$0xFC00] =	vst v63  }
0xed: {  	_ =	swait.ge [sflag:s9], $0xE00  }
0xee: {  	[sflag:s9] =	ssyncset.done $0x0  }
0xef: {  	s22 =	simm.s32 $0x5;
	[sflag:s9] =	ssyncadd.s32 $0xFFFFF200  }
0xf0: {  	_ =	swait.ge [sflag:s22], $0xE00  }
0xf1: {  	s23 =	rddreg [dreg:$0xe];
	[sflag:s22] =	ssyncset.done $0x0  }
0xf2: {  	[sflag:s22] =	ssyncadd.s32 $0xFFFFF200;
	s18 =	sadd.s32 s16, s23  }
0xf3: {  	[hbm4b:s18+s28] =	stream.strided.scatter [tilespmem:s25], [sflag:$0x11], $0xE00, s8, s28, $0x38;
	[tilespmem:$0xFC00] =	vst v63  }
0xf4: {  	_ =	swait.ge [sflag:s9], $0xE00  }
0xf5: {  	[sflag:s9] =	ssyncset.done $0x0  }
0xf6: {  	s24 =	simm.s32 $0x6;
	[sflag:s9] =	ssyncadd.s32 $0xFFFFF200  }
0xf7: {  	_ =	swait.ge [sflag:s24], $0xE00  }
0xf8: {  	s25 =	rddreg [dreg:$0xd];
	[sflag:s24] =	ssyncset.done $0x0  }
0xf9: {  	[sflag:s24] =	ssyncadd.s32 $0xFFFFF200;
	s18 =	sadd.s32 s16, s25  }
0xfa: {  	[hbm4b:s18+s28] =	stream.strided.scatter [tilespmem:s26], [sflag:$0x11], $0xE00, s8, s28, $0x38;
	[tilespmem:$0xFC00] =	vst v63  }
0xfb: {  	_ =	swait.ge [sflag:s9], $0xE00  }
0xfc: {  	[sflag:s9] =	ssyncset.done $0x0  }
0xfd: {  	s18 =	simm.s32 $0x7;
	[sflag:s9] =	ssyncadd.s32 $0xFFFFF200  }
0xfe: {  	_ =	swait.ge [sflag:s18], $0xE00  }
0xff: {  	s21 =	rddreg [dreg:$0xc];
	[sflag:s18] =	ssyncset.done $0x0  }
0x100: {  	[sflag:s18] =	ssyncadd.s32 $0xFFFFF200;
	s18 =	sadd.s32 s16, s21  }
0x101: {  	[hbm4b:s18+s28] =	stream.strided.scatter [tilespmem:s29], [sflag:$0x11], $0xE00, s8, s28, $0x38;
	[tilespmem:$0xFC00] =	vst v63  }
0x102: {  	_ =	swait.ge [sflag:s9], $0xE00  }
0x103: {  	[sflag:s9] =	ssyncset.done $0x0  }
0x104: {  	s22 =	simm.s32 $0x8;
	[sflag:s9] =	ssyncadd.s32 $0xFFFFF200  }
0x105: {  	_ =	swait.ge [sflag:s22], $0xE00  }
0x106: {  	s23 =	rddreg [dreg:$0xb];
	[sflag:s22] =	ssyncset.done $0x0  }
0x107: {  	[sflag:s22] =	ssyncadd.s32 $0xFFFFF200;
	s18 =	sadd.s32 s16, s23  }
0x108: {  	[hbm4b:s18+s28] =	stream.strided.scatter [tilespmem:s30], [sflag:$0x11], $0xE00, s8, s28, $0x38;
	[tilespmem:$0xFC00] =	vst v63  }
0x109: {  	_ =	swait.ge [sflag:s9], $0xE00  }
0x10a: {  	[sflag:s9] =	ssyncset.done $0x0  }
0x10b: {  	s24 =	simm.s32 $0x9;
	[sflag:s9] =	ssyncadd.s32 $0xFFFFF200  }
0x10c: {  	_ =	swait.ge [sflag:s24], $0xE00  }
0x10d: {  	s25 =	rddreg [dreg:$0xa];
	[sflag:s24] =	ssyncset.done $0x0  }
0x10e: {  	[sflag:s24] =	ssyncadd.s32 $0xFFFFF200;
	s18 =	sadd.s32 s16, s25  }
0x10f: {  	[hbm4b:s18+s28] =	stream.strided.scatter [tilespmem:s31], [sflag:$0x11], $0xE00, s8, s28, $0x38;
	[tilespmem:$0xFC00] =	vst v63  }
0x110: {  	_ =	swait.ge [sflag:s9], $0xE00  }
0x111: {  	[sflag:s9] =	ssyncset.done $0x0  }
0x112: {  	s26 =	simm.s32 $0xA;
	[sflag:s9] =	ssyncadd.s32 $0xFFFFF200  }
0x113: {  	_ =	swait.ge [sflag:s26], $0xE00  }
0x114: {  	s29 =	rddreg [dreg:$0x9];
	[sflag:s26] =	ssyncset.done $0x0  }
0x115: {  	[sflag:s26] =	ssyncadd.s32 $0xFFFFF200;
	s18 =	sadd.s32 s16, s29  }
0x116: {  	[hbm4b:s18+s28] =	stream.strided.scatter [tilespmem:s0], [sflag:$0x11], $0xE00, s8, s28, $0x38;
	[tilespmem:$0xFC00] =	vst v63  }
0x117: {  	_ =	swait.ge [sflag:s9], $0xE00  }
0x118: {  	[sflag:s9] =	ssyncset.done $0x0  }
0x119: {  	s21 =	simm.s32 $0xB;
	[sflag:s9] =	ssyncadd.s32 $0xFFFFF200  }
0x11a: {  	_ =	swait.ge [sflag:s21], $0xE00  }
0x11b: {  	s22 =	rddreg [dreg:$0x8];
	[sflag:s21] =	ssyncset.done $0x0  }
0x11c: {  	[sflag:s21] =	ssyncadd.s32 $0xFFFFF200;
	s18 =	sadd.s32 s16, s22  }
0x11d: {  	[hbm4b:s18+s28] =	stream.strided.scatter [tilespmem:s1], [sflag:$0x11], $0xE00, s8, s28, $0x38;
	[tilespmem:$0xFC00] =	vst v63  }
0x11e: {  	_ =	swait.ge [sflag:s9], $0xE00  }
0x11f: {  	[sflag:s9] =	ssyncset.done $0x0  }
0x120: {  	[sflag:s9] =	ssyncadd.s32 $0xFFFFF200  }
0x121: {  	_ =	swait.ge [sflag:s11], $0xE00  }
0x122: {  	s23 =	rddreg [dreg:$0x7];
	[sflag:s11] =	ssyncset.done $0x0  }
0x123: {  	[sflag:s11] =	ssyncadd.s32 $0xFFFFF200;
	s18 =	sadd.s32 s16, s23  }
0x124: {  	[hbm4b:s18+s28] =	stream.strided.scatter [tilespmem:s2], [sflag:$0x11], $0xE00, s8, s28, $0x38;
	[tilespmem:$0xFC00] =	vst v63  }
0x125: {  	_ =	swait.ge [sflag:s9], $0xE00  }
0x126: {  	[sflag:s9] =	ssyncset.done $0x0  }
0x127: {  	[sflag:s9] =	ssyncadd.s32 $0xFFFFF200  }
0x128: {  	_ =	swait.ge [sflag:s12], $0xE00  }
0x129: {  	s24 =	rddreg [dreg:$0x6];
	[sflag:s12] =	ssyncset.done $0x0  }
0x12a: {  	[sflag:s12] =	ssyncadd.s32 $0xFFFFF200;
	s18 =	sadd.s32 s16, s24  }
0x12b: {  	[hbm4b:s18+s28] =	stream.strided.scatter [tilespmem:s5], [sflag:$0x11], $0xE00, s8, s28, $0x38;
	[tilespmem:$0xFC00] =	vst v63  }
0x12c: {  	_ =	swait.ge [sflag:s9], $0xE00  }
0x12d: {  	[sflag:s9] =	ssyncset.done $0x0  }
0x12e: {  	[sflag:s9] =	ssyncadd.s32 $0xFFFFF200  }
0x12f: {  	_ =	swait.ge [sflag:s13], $0xE00  }
0x130: {  	s25 =	rddreg [dreg:$0x5];
	[sflag:s13] =	ssyncset.done $0x0  }
0x131: {  	[sflag:s13] =	ssyncadd.s32 $0xFFFFF200;
	s18 =	sadd.s32 s16, s25  }
0x132: {  	[hbm4b:s18+s28] =	stream.strided.scatter [tilespmem:s6], [sflag:$0x11], $0xE00, s8, s28, $0x38;
	[tilespmem:$0xFC00] =	vst v63  }
0x133: {  	_ =	swait.ge [sflag:s9], $0xE00  }
0x134: {  	[sflag:s9] =	ssyncset.done $0x0  }
0x135: {  	[sflag:s9] =	ssyncadd.s32 $0xFFFFF200  }
0x136: {  	_ =	swait.ge [sflag:s14], $0xE00  }
0x137: {  	s26 =	rddreg [dreg:$0x4];
	[sflag:s14] =	ssyncset.done $0x0  }
0x138: {  	[sflag:s14] =	ssyncadd.s32 $0xFFFFF200;
	s18 =	sadd.s32 s16, s26  }
0x139: {  	[hbm4b:s18+s28] =	stream.strided.scatter [tilespmem:s4], [sflag:$0x11], $0xE00, s8, s28, $0x38;
	[tilespmem:$0xFC00] =	vst v63  }
0x13a: {  	_ =	swait.ge [sflag:s9], $0xE00  }
0x13b: {  	[sflag:s9] =	ssyncset.done $0x0  }
0x13c: {  	[sflag:s9] =	ssyncadd.s32 $0xFFFFF200  }
0x13d: {  	_ =	swait.ge [sflag:s15], $0xE00  }
.Ltmp0:
0x13e: {  	s29 =	rddreg [dreg:$0x3];
	[sflag:s15] =	ssyncset.done $0x0;
	(pc) =	sbr.rel @p0 .LBB2_2-.Ltmp0, $4  }
0x13f: {  	[sflag:s15] =	ssyncadd.s32 $0xFFFFF200;
	s18 =	sadd.s32 s16, s29  }
0x140: {  	[hbm4b:s18+s28] =	stream.strided.scatter [tilespmem:s10], [sflag:$0x11], $0xE00, s8, s28, $0x38;
	[tilespmem:$0xFC00] =	vst v63  }
0x141: {  	_ =	swait.ge [sflag:s9], $0xE00  }
0x142: {  	s16 =	sadd.s32 $0x3800, s16;
	s18 =	smov.u32 s20;
	[sflag:s9] =	ssyncset.done $0x0  }
0x143: {  	s17 =	sshra.s32 s17, $0x2;
	[sflag:s9] =	ssyncadd.s32 $0xFFFFF200;
	s19 =	simm.s32 $0x1C00  }
0x144: {  	[tilespmem:s19], [sflag:$0x1] =	stream.indirect.gather [hbm4b:s3+s7], $0x40, s17, s7, $0xb8;
	[tilespmem:$0xFC00] =	vst v63  }
0x145: {  	s20 =	simm.s32 $0x2A00;
	s18 =	sadd.s32 $0x38, s17  }
0x146: {  	[tilespmem:s20], [sflag:$0x2] =	stream.indirect.gather [hbm4b:s3+s7], $0x40, s18, s7, $0xb8;
	[tilespmem:$0xFC00] =	vst v63  }
0x147: {  	s21 =	simm.s32 $0x3800;
	s24 =	sadd.s32 $0x70, s17  }
0x148: {  	[tilespmem:s21], [sflag:$0x3] =	stream.indirect.gather [hbm4b:s3+s7], $0x40, s24, s7, $0xb8;
	[tilespmem:$0xFC00] =	vst v63  }
0x149: {  	s22 =	simm.s32 $0x4600;
	s25 =	sadd.s32 $0xA8, s17  }
0x14a: {  	[tilespmem:s22], [sflag:$0x4] =	stream.indirect.gather [hbm4b:s3+s7], $0x40, s25, s7, $0xb8;
	[tilespmem:$0xFC00] =	vst v63  }
0x14b: {  	s23 =	simm.s32 $0x5400;
	s26 =	sadd.s32 $0xE0, s17  }
0x14c: {  	[tilespmem:s23], [sflag:$0x5] =	stream.indirect.gather [hbm4b:s3+s7], $0x40, s26, s7, $0xb8;
	[tilespmem:$0xFC00] =	vst v63  }
0x14d: {  	s29 =	sadd.s32 $0x118, s17;
	s24 =	simm.s32 $0x6200  }
0x14e: {  	[tilespmem:s24], [sflag:$0x6] =	stream.indirect.gather [hbm4b:s3+s7], $0x40, s29, s7, $0xb8;
	[tilespmem:$0xFC00] =	vst v63  }
0x14f: {  	s0 =	sadd.s32 $0x150, s17;
	s25 =	simm.s32 $0x7000  }
0x150: {  	[tilespmem:s25], [sflag:$0x7] =	stream.indirect.gather [hbm4b:s3+s7], $0x40, s0, s7, $0xb8;
	[tilespmem:$0xFC00] =	vst v63  }
0x151: {  	s1 =	sadd.s32 $0x188, s17;
	s26 =	simm.s32 $0x7E00  }
0x152: {  	[tilespmem:s26], [sflag:$0x8] =	stream.indirect.gather [hbm4b:s3+s7], $0x40, s1, s7, $0xb8;
	[tilespmem:$0xFC00] =	vst v63  }
0x153: {  	s2 =	sadd.s32 $0x1C0, s17;
	s29 =	simm.s32 $0x8C00  }
0x154: {  	[tilespmem:s29], [sflag:$0x9] =	stream.indirect.gather [hbm4b:s3+s7], $0x40, s2, s7, $0xb8;
	[tilespmem:$0xFC00] =	vst v63  }
0x155: {  	s4 =	sadd.s32 $0x1F8, s17;
	s0 =	simm.s32 $0x9A00  }
0x156: {  	[tilespmem:s0], [sflag:$0xA] =	stream.indirect.gather [hbm4b:s3+s7], $0x40, s4, s7, $0xb8;
	[tilespmem:$0xFC00] =	vst v63  }
0x157: {  	s5 =	sadd.s32 $0x230, s17;
	s1 =	simm.s32 $0xA800  }
0x158: {  	[tilespmem:s1], [sflag:$0xB] =	stream.indirect.gather [hbm4b:s3+s7], $0x40, s5, s7, $0xb8;
	[tilespmem:$0xFC00] =	vst v63  }
0x159: {  	s6 =	sadd.s32 $0x268, s17;
	s2 =	simm.s32 $0xB600  }
0x15a: {  	[tilespmem:s2], [sflag:$0xC] =	stream.indirect.gather [hbm4b:s3+s7], $0x40, s6, s7, $0xb8;
	[tilespmem:$0xFC00] =	vst v63  }
0x15b: {  	s10 =	sadd.s32 $0x2A0, s17;
	s5 =	simm.s32 $0xC400  }
0x15c: {  	[tilespmem:s5], [sflag:$0xD] =	stream.indirect.gather [hbm4b:s3+s7], $0x40, s10, s7, $0xb8;
	[tilespmem:$0xFC00] =	vst v63  }
0x15d: {  	s4 =	sadd.s32 $0x2D8, s17;
	s6 =	simm.s32 $0xD200  }
0x15e: {  	[tilespmem:s6], [sflag:$0xE] =	stream.indirect.gather [hbm4b:s3+s7], $0x40, s4, s7, $0xb8;
	[tilespmem:$0xFC00] =	vst v63  }
0x15f: {  	s10 =	sadd.s32 $0x310, s17;
	s4 =	simm.s32 $0xE000  }
0x160: {  	[tilespmem:s4], [sflag:$0xF] =	stream.indirect.gather [hbm4b:s3+s7], $0x40, s10, s7, $0xb8;
	[tilespmem:$0xFC00] =	vst v63  }
0x161: {  	s18 =	simm.s32 $0x1;
	s17 =	sadd.s32 $0x348, s17;
	s10 =	simm.s32 $0xEE00  }
0x162: {  	[tilespmem:s10], [sflag:$0x10] =	stream.indirect.gather [hbm4b:s3+s7], $0x40, s17, s7, $0xb8;
	[tilespmem:$0xFC00] =	vst v63  }
0x163: {  	_ =	swait.ge [sflag:s18], $0xE00  }
0x164: {  	s17 =	rddreg [dreg:$0x10];
	[sflag:s18] =	ssyncset.done $0x0  }
0x165: {  	[sflag:s18] =	ssyncadd.s32 $0xFFFFF200;
	s17 =	sadd.s32 s16, s17  }
0x166: {  	[hbm4b:s17+s28] =	stream.strided.scatter [tilespmem:s19], [sflag:$0x11], $0xE00, s8, s28, $0x38;
	[tilespmem:$0xFC00] =	vst v63  }
0x167: {  	_ =	swait.ge [sflag:s9], $0xE00  }
0x168: {  	[sflag:s9] =	ssyncset.done $0x0  }
0x169: {  	s19 =	simm.s32 $0x2;
	[sflag:s9] =	ssyncadd.s32 $0xFFFFF200  }
0x16a: {  	_ =	swait.ge [sflag:s19], $0xE00  }
0x16b: {  	[sflag:s19] =	ssyncset.done $0x0  }
0x16c: {  	[sflag:s19] =	ssyncadd.s32 $0xFFFFF200;
	s19 =	sadd.s32 $0x380, s17  }
0x16d: {  	[hbm4b:s19+s28] =	stream.strided.scatter [tilespmem:s20], [sflag:$0x11], $0xE00, s8, s28, $0x38;
	[tilespmem:$0xFC00] =	vst v63  }
0x16e: {  	_ =	swait.ge [sflag:s9], $0xE00  }
0x16f: {  	[sflag:s9] =	ssyncset.done $0x0  }
0x170: {  	s20 =	simm.s32 $0x3;
	[sflag:s9] =	ssyncadd.s32 $0xFFFFF200  }
0x171: {  	_ =	swait.ge [sflag:s20], $0xE00  }
0x172: {  	[sflag:s20] =	ssyncset.done $0x0  }
0x173: {  	s17 =	sadd.s32 $0x700, s17;
	[sflag:s20] =	ssyncadd.s32 $0xFFFFF200  }
0x174: {  	[hbm4b:s17+s28] =	stream.strided.scatter [tilespmem:s21], [sflag:$0x11], $0xE00, s8, s28, $0x38;
	[tilespmem:$0xFC00] =	vst v63  }
0x175: {  	_ =	swait.ge [sflag:s9], $0xE00  }
0x176: {  	[sflag:s9] =	ssyncset.done $0x0  }
0x177: {  	s19 =	simm.s32 $0x4;
	[sflag:s9] =	ssyncadd.s32 $0xFFFFF200  }
0x178: {  	_ =	swait.ge [sflag:s19], $0xE00  }
0x179: {  	s20 =	rddreg [dreg:$0xf];
	[sflag:s19] =	ssyncset.done $0x0  }
0x17a: {  	[sflag:s19] =	ssyncadd.s32 $0xFFFFF200;
	s17 =	sadd.s32 s16, s20  }
0x17b: {  	[hbm4b:s17+s28] =	stream.strided.scatter [tilespmem:s22], [sflag:$0x11], $0xE00, s8, s28, $0x38;
	[tilespmem:$0xFC00] =	vst v63  }
0x17c: {  	_ =	swait.ge [sflag:s9], $0xE00  }
0x17d: {  	[sflag:s9] =	ssyncset.done $0x0  }
0x17e: {  	s21 =	simm.s32 $0x5;
	[sflag:s9] =	ssyncadd.s32 $0xFFFFF200  }
0x17f: {  	_ =	swait.ge [sflag:s21], $0xE00  }
0x180: {  	s22 =	rddreg [dreg:$0xe];
	[sflag:s21] =	ssyncset.done $0x0  }
0x181: {  	[sflag:s21] =	ssyncadd.s32 $0xFFFFF200;
	s17 =	sadd.s32 s16, s22  }
0x182: {  	[hbm4b:s17+s28] =	stream.strided.scatter [tilespmem:s23], [sflag:$0x11], $0xE00, s8, s28, $0x38;
	[tilespmem:$0xFC00] =	vst v63  }
0x183: {  	_ =	swait.ge [sflag:s9], $0xE00  }
0x184: {  	[sflag:s9] =	ssyncset.done $0x0  }
0x185: {  	s17 =	simm.s32 $0x6;
	[sflag:s9] =	ssyncadd.s32 $0xFFFFF200  }
0x186: {  	_ =	swait.ge [sflag:s17], $0xE00  }
0x187: {  	s19 =	rddreg [dreg:$0xd];
	[sflag:s17] =	ssyncset.done $0x0  }
0x188: {  	[sflag:s17] =	ssyncadd.s32 $0xFFFFF200;
	s17 =	sadd.s32 s16, s19  }
0x189: {  	[hbm4b:s17+s28] =	stream.strided.scatter [tilespmem:s24], [sflag:$0x11], $0xE00, s8, s28, $0x38;
	[tilespmem:$0xFC00] =	vst v63  }
0x18a: {  	_ =	swait.ge [sflag:s9], $0xE00  }
0x18b: {  	[sflag:s9] =	ssyncset.done $0x0  }
0x18c: {  	s20 =	simm.s32 $0x7;
	[sflag:s9] =	ssyncadd.s32 $0xFFFFF200  }
0x18d: {  	_ =	swait.ge [sflag:s20], $0xE00  }
0x18e: {  	s21 =	rddreg [dreg:$0xc];
	[sflag:s20] =	ssyncset.done $0x0  }
0x18f: {  	[sflag:s20] =	ssyncadd.s32 $0xFFFFF200;
	s17 =	sadd.s32 s16, s21  }
0x190: {  	[hbm4b:s17+s28] =	stream.strided.scatter [tilespmem:s25], [sflag:$0x11], $0xE00, s8, s28, $0x38;
	[tilespmem:$0xFC00] =	vst v63  }
0x191: {  	_ =	swait.ge [sflag:s9], $0xE00  }
0x192: {  	[sflag:s9] =	ssyncset.done $0x0  }
0x193: {  	s22 =	simm.s32 $0x8;
	[sflag:s9] =	ssyncadd.s32 $0xFFFFF200  }
0x194: {  	_ =	swait.ge [sflag:s22], $0xE00  }
0x195: {  	s23 =	rddreg [dreg:$0xb];
	[sflag:s22] =	ssyncset.done $0x0  }
0x196: {  	[sflag:s22] =	ssyncadd.s32 $0xFFFFF200;
	s17 =	sadd.s32 s16, s23  }
0x197: {  	[hbm4b:s17+s28] =	stream.strided.scatter [tilespmem:s26], [sflag:$0x11], $0xE00, s8, s28, $0x38;
	[tilespmem:$0xFC00] =	vst v63  }
0x198: {  	_ =	swait.ge [sflag:s9], $0xE00  }
0x199: {  	[sflag:s9] =	ssyncset.done $0x0  }
0x19a: {  	s24 =	simm.s32 $0x9;
	[sflag:s9] =	ssyncadd.s32 $0xFFFFF200  }
0x19b: {  	_ =	swait.ge [sflag:s24], $0xE00  }
0x19c: {  	s25 =	rddreg [dreg:$0xa];
	[sflag:s24] =	ssyncset.done $0x0  }
0x19d: {  	[sflag:s24] =	ssyncadd.s32 $0xFFFFF200;
	s17 =	sadd.s32 s16, s25  }
0x19e: {  	[hbm4b:s17+s28] =	stream.strided.scatter [tilespmem:s29], [sflag:$0x11], $0xE00, s8, s28, $0x38;
	[tilespmem:$0xFC00] =	vst v63  }
0x19f: {  	_ =	swait.ge [sflag:s9], $0xE00  }
0x1a0: {  	[sflag:s9] =	ssyncset.done $0x0  }
0x1a1: {  	s26 =	simm.s32 $0xA;
	[sflag:s9] =	ssyncadd.s32 $0xFFFFF200  }
0x1a2: {  	_ =	swait.ge [sflag:s26], $0xE00  }
0x1a3: {  	s29 =	rddreg [dreg:$0x9];
	[sflag:s26] =	ssyncset.done $0x0  }
0x1a4: {  	[sflag:s26] =	ssyncadd.s32 $0xFFFFF200;
	s17 =	sadd.s32 s16, s29  }
0x1a5: {  	[hbm4b:s17+s28] =	stream.strided.scatter [tilespmem:s0], [sflag:$0x11], $0xE00, s8, s28, $0x38;
	[tilespmem:$0xFC00] =	vst v63  }
0x1a6: {  	_ =	swait.ge [sflag:s9], $0xE00  }
0x1a7: {  	[sflag:s9] =	ssyncset.done $0x0  }
0x1a8: {  	s18 =	simm.s32 $0xB;
	[sflag:s9] =	ssyncadd.s32 $0xFFFFF200  }
0x1a9: {  	_ =	swait.ge [sflag:s18], $0xE00  }
0x1aa: {  	s19 =	rddreg [dreg:$0x8];
	[sflag:s18] =	ssyncset.done $0x0  }
0x1ab: {  	[sflag:s18] =	ssyncadd.s32 $0xFFFFF200;
	s17 =	sadd.s32 s16, s19  }
0x1ac: {  	[hbm4b:s17+s28] =	stream.strided.scatter [tilespmem:s1], [sflag:$0x11], $0xE00, s8, s28, $0x38;
	[tilespmem:$0xFC00] =	vst v63  }
0x1ad: {  	_ =	swait.ge [sflag:s9], $0xE00  }
0x1ae: {  	[sflag:s9] =	ssyncset.done $0x0  }
0x1af: {  	[sflag:s9] =	ssyncadd.s32 $0xFFFFF200  }
0x1b0: {  	_ =	swait.ge [sflag:s11], $0xE00  }
0x1b1: {  	s20 =	rddreg [dreg:$0x7];
	[sflag:s11] =	ssyncset.done $0x0  }
0x1b2: {  	[sflag:s11] =	ssyncadd.s32 $0xFFFFF200;
	s17 =	sadd.s32 s16, s20  }
0x1b3: {  	[hbm4b:s17+s28] =	stream.strided.scatter [tilespmem:s2], [sflag:$0x11], $0xE00, s8, s28, $0x38;
	[tilespmem:$0xFC00] =	vst v63  }
0x1b4: {  	_ =	swait.ge [sflag:s9], $0xE00  }
0x1b5: {  	[sflag:s9] =	ssyncset.done $0x0  }
0x1b6: {  	[sflag:s9] =	ssyncadd.s32 $0xFFFFF200  }
0x1b7: {  	_ =	swait.ge [sflag:s12], $0xE00  }
0x1b8: {  	s21 =	rddreg [dreg:$0x6];
	[sflag:s12] =	ssyncset.done $0x0  }
0x1b9: {  	[sflag:s12] =	ssyncadd.s32 $0xFFFFF200;
	s17 =	sadd.s32 s16, s21  }
0x1ba: {  	[hbm4b:s17+s28] =	stream.strided.scatter [tilespmem:s5], [sflag:$0x11], $0xE00, s8, s28, $0x38;
	[tilespmem:$0xFC00] =	vst v63  }
0x1bb: {  	_ =	swait.ge [sflag:s9], $0xE00  }
0x1bc: {  	[sflag:s9] =	ssyncset.done $0x0  }
0x1bd: {  	[sflag:s9] =	ssyncadd.s32 $0xFFFFF200  }
0x1be: {  	_ =	swait.ge [sflag:s13], $0xE00  }
0x1bf: {  	s22 =	rddreg [dreg:$0x5];
	[sflag:s13] =	ssyncset.done $0x0  }
0x1c0: {  	[sflag:s13] =	ssyncadd.s32 $0xFFFFF200;
	s17 =	sadd.s32 s16, s22  }
0x1c1: {  	[hbm4b:s17+s28] =	stream.strided.scatter [tilespmem:s6], [sflag:$0x11], $0xE00, s8, s28, $0x38;
	[tilespmem:$0xFC00] =	vst v63  }
0x1c2: {  	_ =	swait.ge [sflag:s9], $0xE00  }
0x1c3: {  	[sflag:s9] =	ssyncset.done $0x0  }
0x1c4: {  	[sflag:s9] =	ssyncadd.s32 $0xFFFFF200  }
0x1c5: {  	_ =	swait.ge [sflag:s14], $0xE00  }
0x1c6: {  	s23 =	rddreg [dreg:$0x4];
	[sflag:s14] =	ssyncset.done $0x0  }
0x1c7: {  	[sflag:s14] =	ssyncadd.s32 $0xFFFFF200;
	s17 =	sadd.s32 s16, s23  }
0x1c8: {  	[hbm4b:s17+s28] =	stream.strided.scatter [tilespmem:s4], [sflag:$0x11], $0xE00, s8, s28, $0x38;
	[tilespmem:$0xFC00] =	vst v63  }
0x1c9: {  	_ =	swait.ge [sflag:s9], $0xE00  }
0x1ca: {  	[sflag:s9] =	ssyncset.done $0x0  }
0x1cb: {  	[sflag:s9] =	ssyncadd.s32 $0xFFFFF200  }
0x1cc: {  	_ =	swait.ge [sflag:s15], $0xE00  }
0x1cd: {  	s24 =	rddreg [dreg:$0x3];
	[sflag:s15] =	ssyncset.done $0x0  }
0x1ce: {  	s25 =	sadd.s32 s16, s24;
	[sflag:s15] =	ssyncadd.s32 $0xFFFFF200  }
0x1cf: {  	[hbm4b:s25+s28] =	stream.strided.scatter [tilespmem:s10], [sflag:$0x11], $0xE00, s8, s28, $0x38;
	[tilespmem:$0xFC00] =	vst v63  }
0x1d0: {  	_ =	swait.ge [sflag:s9], $0xE00  }
0x1d1: {  	s26 =	rddreg [dreg:$0x14]  }
0x1d2: {  	s29 =	rddreg [dreg:$0x13];
	s0 =	sadd.s32 $0x1, s26  }
0x1d3: {  	p0 =	sne.s32 s0, s29  }
.Ltmp1:
0x1d4: {  	_ = 	snop;
	(pc) =	sbr.rel @p0 .LBB2_1-.Ltmp1, $3  }
0x1d5: {  	_ =	sdelay $0x1  }
0x1d6: {  	[sflag:s9] =	ssyncset.done $0x0  }
0x1d7: {  	[sflag:s9] =	ssyncadd.s32 $0xFFFFF200  }
0x1d8: {  	_ =	sfence.sel $0x180000  }
0x1d9: {  	[bflag:$0x0] =	sbarrier.arrive $0xFFFF  }
0x1da: {  	_ =	strace $0x90000047  }
0x1db: {  	s0 =	stileid.u32;
	[bflag:$0x2] =	sbarrier.arrive $0xFFFF  }
0x1dc: {  	p0 =	sne.s32 s0, $0x0;
	s0 =	rddreg [dreg:$0x2]  }
0x1dd: {  	s0 =	sadd.s32 @!p0 $0x100000, s0  }
0x1de: {  	[sflag:s0] =	ssyncadd.tile.s32 @!p0 $0x1;
	_ =	shalt  }
.Lfunc_end2:
_tile_overlayer_lowered:
.L_overlay_start_2:
0x1df: {  	(tag) =	ssettag $0x2  }
0x1e0: {  	s0 =	rddreg [dreg:$0x0];
	s2 =	stileid.u32  }
0x1e1: {  	s1 =	rddreg [dreg:$0x1];
	p0 =	sne.s32 s2, $0x0  }
0x1e2: {  	s3 =	rddreg [dreg:$0x2];
	[bflag:$0x3] =	sbarrier.arrive $0xFFFF;
	s2 =	simm.s32 @!p0 $0x1C11  }
0x1e3: {  	[timem:s3], [sflag:s2] =	dma.local @!p0 [hbm:s0], s1  }
0x1e4: {  	s0 =	simm.s32 @!p0 $0x11  }
0x1e5: {  	_ =	swait.ge @!p0 [sflag:s0], s1  }
0x1e6: {  	s1 =	ssub.s32 @!p0 $0x0, s1;
	[sflag:s0] =	ssyncset.done @!p0 $0x0  }
0x1e7: {  	[sflag:s0] =	ssyncadd.s32 @!p0 s1  }
0x1e8: {  	[bflag:$0x3] =	sbarrier.arrive $0xFFFF  }
0x1e9: {  	_ =	shalt  }

// kernel: sparse-core-data-format-call.cloned.1.call-start
scs
called_computation_lowered:
.L_overlay_start_0:
0x0: {  	s2 =	sld [smem:$0x3FD9]  }
0x1: {  	s3 =	sld [smem:$0x3FFE];
	_ =	sdelay $0x1  }
0x2: {  	s1 =	srdreg.scid  }
0x3: {  	s0 =	sand.u32 $0x1, s1  }
0x4: {  	s18 =	sshll.u32 s0, $0xA;
	s2 =	sadd.s32 s3, s2  }
0x5: {  	s2 =	sadd.s32 s2, s18  }
0x6: {  	[smem:$0x3FC6] =	sst s2  }
0x7: {  	_ = 	snop  }
0x8: {  	s2 =	sld [smem:$0x3FD0];
	(tm) =	ssettm $0x1  }
0x9: {  	s19 =	sld [smem:$0x3FFB];
	_ =	sdelay $0x3  }
0xa: {  	_ =	strace s19  }
0xb: {  	s3 =	sld [smem:$0x3FFC];
	_ =	sdelay $0x3  }
0xc: {  	_ =	strace s3  }
0xd: {  	s3 =	sld [smem:$0x3FFD];
	_ =	sdelay $0x3  }
0xe: {  	_ =	strace s3  }
0xf: {  	_ =	strace $0x8FFFFFFF  }
0x10: {  	s20 =	sld [smem:$0x3FDB];
	_ =	sdelay $0x1  }
0x11: {  	s4 =	simm.s32 $_scs_section_size  }
0x12: {  	s5 =	simm.s32 $_size__tile_overlayer_lowered;
	s6 =	simm.s32 $_tile_overlayer_lowered  }
0x13: {  	s23 =	simm.s32 $0x1BFF;
	s22 =	sshll.u32 s6, $0x1;
	s3 =	sadd.s32 s4, s20  }
0x14: {  	s7 =	simm.s32 $0x0;
	s21 =	sshll.u32 s5, $0x1;
	s5 =	sadd.s32 s22, s3  }
0x15: {  	[timem:s7], [sflag:s23] =	dma.local [hbm:s5], s21  }
0x16: {  	_ =	swait.ge [sflag:s23], s21  }
0x17: {  	s4 =	ssub.s32 $0x0, s21;
	[sflag:s23] =	ssyncset.done $0x0  }
0x18: {  	[sflag:s23] =	ssyncadd.s32 s4;
	_ =	sdelay $0x1  }
0x19: {  	s24 =	simm.s32 $0x1B8B  }
0x1a: {  	_ =	swait.ge [sflag:s24], $0x1  }
0x1b: {  	[sflag:s24] =	ssyncset.done $0x0  }
0x1c: {  	s26 =	simm.s32 $0x1B8E;
	s25 =	sld [smem:$0x3FFE];
	[sflag:s24] =	ssyncadd.s32 $0xFFFFFFFF  }
0x1d: {  	s27 =	simm.s32 $execute0_lowered;
	[smem:$0x3FD2] =	sst s26  }
0x1e: {  	s5 =	sshll.u32 s27, $0x1;
	_ =	strace $0x80000049;
	[dreg:$0x1] =	wrdreg $0xFFFFFFFF  }
0x1f: {  	s28 =	simm.s32 $_size_execute0_lowered;
	s3 =	sadd.s32 s3, s5;
	[dreg:$0x0] =	wrdreg $0x0  }
0x20: {  	s5 =	sshll.u32 s28, $0x1;
	[dreg:$0x2] =	wrdreg s3  }
0x21: {  	[dreg:$0x3] =	wrdreg s5  }
0x22: {  	[dreg:$0x4] =	wrdreg $0xC0  }
0x23: {  	_ =	task [dreg:s7], $0x5FFFF  }
0x24: {  	[dreg:$0x1] =	wrdreg $0xFFFFFFFF  }
0x25: {  	[dreg:$0x0] =	wrdreg $0x60  }
0x26: {  	[dreg:$0x2] =	wrdreg s25  }
0x27: {  	[dreg:$0x3] =	wrdreg s2  }
0x28: {  	[dreg:$0x4] =	wrdreg $0x9  }
0x29: {  	_ =	task.clear_ibuf [dreg:s7], $0x5FFFF;
	_ =	strace $0x90000049  }
0x2a: {  	s29 =	simm.s32 $0x9;
	_ =	strace $0x8000004B  }
0x2b: {  	_ =	swait.ge [sflag:s29], $0x1  }
0x2c: {  	[sflag:s29] =	ssyncadd.s32 $0xFFFFFFFF  }
0x2d: {  	_ =	strace $0x9000004B  }
0x2e: {  	_ =	sfence  }
0x2f: {  	s30 =	sld [smem:$0x0];
	_ =	sdelay $0x2  }
0x30: {  	s31 =	sshll.u32 s1, $0xD;
	s1 =	sshrl.u32 s1, $0x2  }
0x31: {  	s3 =	sand.u32 $0x4000, s31;
	s1 =	sadd.s32 s1, s30  }
0x32: {  	s0 =	sor.u32 s3, s0;
	s1 =	sshll.u32 s1, $0x11  }
0x33: {  	s0 =	sor.u32 s1, s0  }
0x34: {  	s0 =	sadd.s32 $0x8F2B, s0  }
0x35: {  	[sflag:s0] =	ssyncadd.remote.s32 $0x1  }
0x36: {  	_ =	sfence.sel $0xFFFF  }
0x37: {  	[dreg:$0x0] =	wrdreg $0xFFFFFFFF;
	(pc) =	sbr.abs _section_cstart, $3  }
0x38: {  	[dreg:$0x1] =	wrdreg $0xFFFFFFFF  }
0x39: {  	_ =	task.clear_ibuf [dreg:s7], $0x2FFFF;
	_ =	strace $0x9FFFFFFF  }
0x3a: {  	(tm) =	ssettm $0x7FFFFFFF  }
0x3b: {  	_ =	shalt  }
tec
execute0_lowered:
.L_overlay_start_1:
0x0: {  	(tag) =	ssettag $0x1  }
0x1: {  	s0 =	srdreg.scid  }
0x2: {  	s1 =	sshll.u32 s0, $0x4  }
0x3: {  	s0 =	stileid.u32;
	s1 =	sand.u32 $0x10, s1  }
0x4: {  	s1 =	sor.u32 s0, s1  }
0x5: {  	s6 =	rddreg [dreg:$0x0];
	s4 =	simm.s32 $0x1;
	s2 =	sshll.u32 s1, $0x7  }
0x6: {  	s7 =	simm.s32 $0x2;
	s12 =	simm.s32 $0x0;
	s1 =	ssub.s32 $0x1000, s2  }
0x7: {  	s8 =	simm.s32 $0x8000;
	s13 =	simm.s32 $0x0;
	s3 =	sand.u32 $0xF80, s1  }
0x8: {  	s9 =	simm.s32 $0x0;
	s5 =	sshrl.u32 s1, $0xC;
	p0 =	sne.s32 s3, $0x0  }
.Ltmp0:
0x9: {  	s1 =	rddreg [dreg:$0x2];
	s4 =	simm.s32 @!p0 $0x0;
	(pc) =	sbr.rel .LBB1_1-.Ltmp0, $4  }
0xa: {  	s11 =	simm.s32 $0x0;
	s3 =	rddreg [dreg:$0x1];
	s5 =	sadd.s32 s4, s5  }
0xb: {  	_ =	strace $0x8000004A;
	s4 =	simm.s32 $0x1;
	s5 =	smul.u32 $0x32, s5  }
0xc: {  	s6 =	sadd.s32 $0xE00, s6;
	s10 =	smov.u32 s2;
	[sflag:s4] =	ssyncpa.u1 $0x0  }
0xd: {  	p0 =	por $0x0, $0x0;
	[sflag:s7] =	ssyncpa.u1 $0x0;
	s7 =	sor.u32 $0x1, s5  }
.LBB1_4:
0xe: {  	s16 =	sshll.u32 s13, $0x3;
	s17 =	sand.u32 $0x78, s13  }
0xf: {  	s30 =	sand.u32 $0x7E00, s13;
	s12 =	sshll.u32 s12, $0xF;
	s16 =	sand.u32 $0xC00, s16  }
0x10: {  	[tilespmem:s15+$0x810 ss:$0x81] =	vst.msk $0xffff, v2;
	s31 =	sand.u32 $0x7, s13;
	s16 =	sor.u32 s17, s16;
	s17 =	sadd.s32 s3, s30  }
0x11: {  	[tilespmem:s15+$0x1020 ss:$0x81] =	vst.msk $0xffff, v0;
	s13 =	sshll.u32 s31, $0x12;
	s12 =	sadd.s32 s12, s17;
	s16 =	sshrl.u32 s16, $0x3  }
0x12: {  	[tilespmem:s15+$0x0 ss:$0x81] =	vst.msk $0xffff, v1;
	s13 =	sor.u32 $0x400, s13;
	s12 =	sadd.s32 s16, s12  }
0x13: {  	[hbm4b:s12+s13] =	stream.strided.scatter [tilespmem:s14], [sflag:$0x2], $0x2000, s8, s13, $0x20;
	[tilespmem:$0x8080] =	vst v63  }
.LBB1_5:
0x14: {  	s14 =	sadd.s32 $0x1, s9  }
0x15: {  	s12 =	sadd.s32 $0x1000, s10;
	s16 =	smov.u32 s10;
	p2 =	sgt.s32 s14, $0x31  }
0x16: {  	s16 =	smov.u32 @p2 s12  }
0x17: {  	s14 =	simm.s32 @p2 $0x0;
	p2 =	sgt.s32 s16, $0xFFF  }
0x18: {  	s16 =	smov.u32 @p2 s2;
	p2 =	sne.s32 s11, s7  }
.Ltmp1:
0x19: {  	p1 =	slt.u32 s11, $0x2;
	(pc) =	sbr.rel @!p2 .LBB1_6-.Ltmp1, $4  }
0x1a: {  	s15 =	simm.s32 @!p1 $0x2  }
0x1b: {  	s13 =	smov.u32 s10;
	p0 =	por !p0, !p0;
	_ =	swait.ge @!p1 [sflag:s15], $0x2000  }
0x1c: {  	s12 =	smov.u32 s9;
	[sflag:s15] =	ssyncset.done @!p1 $0x0;
	s9 =	smov.u32 s14  }
0x1d: {  	s11 =	sadd.s32 $0x1, s11;
	[sflag:s15] =	ssyncadd.s32 @!p1 $0xFFFFE000;
	s10 =	smov.u32 s16  }
.LBB1_1:
0x1e: {  	p1 =	sge.u32 s11, s5  }
0x1f: {  	s14 =	sand.u32 @!p1 $0x1FFFFFF, s9  }
0x20: {  	s15 =	smulhi.u32 @!p1 $0x4924925, s14;
	_ =	sdelay $0x1  }
0x21: {  	s15 =	smul.u32 @!p1 $0x38, s15  }
0x22: {  	s16 =	sxor.u32 @!p1 $0xFFFFFFFF, s11;
	s17 =	smul.u32 @!p1 $0x380, s10  }
0x23: {  	s31 =	sadd.s32 $0xFFFFFFFF, s11;
	s16 =	sshll.u32 @!p1 s16, $0xD;
	s14 =	ssub.s32 @!p1 s14, s15  }
0x24: {  	s15 =	sand.u32 @!p1 $0x2000, s16;
	s16 =	sadd.s32 @!p1 s6, s17;
	s14 =	sshll.u32 @!p1 s14, $0x4  }
0x25: {  	s17 =	simm.s32 @!p1 $0x1C00;
	s14 =	sadd.s32 @!p1 s14, s16;
	s16 =	simm.s32 @!p1 $0x40  }
0x26: {  	[tilespmem:s15], [sflag:$0x1] =	stream.strided.gather @!p1 [hbm4b:s14+s16], $0x2000, s17, s16, $0x38;
	[tilespmem:$0x8080] =	vst v63  }
0x27: {  	p1 =	sge.u32 s31, s5  }
.Ltmp2:
0x28: {  	_ = 	snop;
	(pc) =	sbr.rel @p1 .LBB1_5-.Ltmp2, $1  }
0x29: {  	_ =	sdelay $0x3  }
0x2a: {  	s14 =	simm.s32 $0x1  }
0x2b: {  	_ =	swait.ge [sflag:s4], $0x2000;
	s14 =	simm.s32 @!p0 $0x0  }
0x2c: {  	[sflag:s4] =	ssyncset.done $0x0;
	s15 =	sshll.u32 s14, $0xD  }
0x2d: {  	[sflag:s4] =	ssyncadd.s32 $0xFFFFE000;
	s18 =	sor.u32 $0x20, s15  }
0x2e: {  	s14 =	smul.u32 $0x8100, s14;
	v3 =	vld [tilespmem:s18+$0x10]  }
0x2f: {  	s30 =	sand.u32 $0x1, s11;
	v2 =	vld [tilespmem:s18+$0xFFFFFFF0]  }
0x30: {  	s15 =	smul.u32 $0x8100, s30;
	s14 =	sshrl.u32 s14, $0x2;
	v0 =	vld [tilespmem:s18+$0x0]  }
0x31: {  	v1 =	vld [tilespmem:s18+$0xFFFFFFE0];
	s16 =	sor.u32 $0x4000, s14  }
0x32: {  	s31 =	sshrl.u32 s15, $0x2;
	s15 =	sadd.s32 $0x0, s16  }
0x33: {  	s17 =	simm.s32 $0x4;
	s18 =	sadd.s32 $0x40, s18;
	s14 =	sor.u32 $0x4000, s31;
	[tilespmem:s15+$0x1830 ss:$0x81] =	vst.msk $0xffff, v3  }
.LBB1_3:
0x34: {  	v3 =	vld [tilespmem:s18+$0x10];
	p1 =	sne.s32 s17, $0x1FC;
	[tilespmem:s15+$0x810 ss:$0x81] =	vst.msk $0xffff, v2;
	s19 =	smov.u32 s17;
	s17 =	sadd.s32 $0x4, s17  }
.Ltmp3:
0x35: {  	v2 =	vld [tilespmem:s18+$0xFFFFFFF0];
	[tilespmem:s15+$0x1020 ss:$0x81] =	vst.msk $0xffff, v0;
	(pc) =	sbr.rel @p1 .LBB1_3-.Ltmp3, $4  }
0x36: {  	v0 =	vld [tilespmem:s18+$0x0];
	[tilespmem:s15+$0x0 ss:$0x81] =	vst.msk $0xffff, v1  }
0x37: {  	s15 =	sshra.s32 s19, $0x2;
	v1 =	vld [tilespmem:s18+$0xFFFFFFE0]  }
0x38: {  	s15 =	sadd.s32 s15, s16  }
0x39: {  	s18 =	sadd.s32 $0x40, s18;
	[tilespmem:s15+$0x1830 ss:$0x81] =	vst.msk $0xffff, v3  }
.Ltmp4:
0x3a: {  	_ = 	snop;
	(pc) =	sbr.rel .LBB1_4-.Ltmp4, $1  }
0x3b: {  	_ =	sdelay $0x3  }
.LBB1_6:
0x3c: {  	_ =	sfence.sel $0x180000  }
0x3d: {  	s2 =	simm.s32 $0x1;
	[bflag:$0x0] =	sbarrier.arrive $0xFFFF  }
0x3e: {  	s31 =	simm.s32 $0x2;
	[sflag:s2] =	ssyncpa.u1 $0x1  }
0x3f: {  	[sflag:s31] =	ssyncpa.u1 $0x1  }
0x40: {  	p0 =	sne.s32 s0, $0x0;
	_ =	strace $0x9000004A  }
0x41: {  	s0 =	sadd.s32 @!p0 $0x100000, s1;
	[bflag:$0x2] =	sbarrier.arrive $0xFFFF  }
0x42: {  	[sflag:s0] =	ssyncadd.tile.s32 @!p0 $0x1;
	_ =	shalt  }
.Lfunc_end1:
_tile_overlayer_lowered:
.L_overlay_start_2:
0x43: {  	(tag) =	ssettag $0x2  }
0x44: {  	s0 =	rddreg [dreg:$0x0];
	s2 =	stileid.u32  }
0x45: {  	s1 =	rddreg [dreg:$0x1];
	p0 =	sne.s32 s2, $0x0  }
0x46: {  	s3 =	rddreg [dreg:$0x2];
	[bflag:$0x3] =	sbarrier.arrive $0xFFFF;
	s2 =	simm.s32 @!p0 $0x1C01  }
0x47: {  	[timem:s3], [sflag:s2] =	dma.local @!p0 [hbm:s0], s1  }
0x48: {  	s0 =	simm.s32 @!p0 $0x1  }
0x49: {  	_ =	swait.ge @!p0 [sflag:s0], s1  }
0x4a: {  	s1 =	ssub.s32 @!p0 $0x0, s1;
	[sflag:s0] =	ssyncset.done @!p0 $0x0  }
0x4b: {  	[sflag:s0] =	ssyncadd.s32 @!p0 s1  }
0x4c: {  	[bflag:$0x3] =	sbarrier.arrive $0xFFFF  }
0x4d: {  	_ =	shalt  }

</sc_bundles>
